<compile_context>
chip_gen: v7x
topology: tpu7x:2x2x1
jax: 0.10.2.dev20260603
libtpu: 0.0.44.dev20260713+nightly
codegen_flags: <defaults>
</compile_context>

<pallas_src>
import functools

import jax
import jax.numpy as jnp
from jax.experimental import pallas as pl
from jax.experimental.pallas import tpu as pltpu

D_MODEL_ = 1024
H_ = 16
HD_ = D_MODEL_ // H_


def _qkv_kernel(dec_ref, enc_ref, wq_ref, wk_ref, wv_ref, q_ref, k_ref, v_ref):
    dec = dec_ref[...]
    enc = enc_ref[...]
    dn = (((1,), (1,)), ((), ()))
    q_ref[...] = jax.lax.dot_general(dec, wq_ref[...], dn,
                                     preferred_element_type=jnp.float32)
    k_ref[...] = jax.lax.dot_general(enc, wk_ref[...], dn,
                                     preferred_element_type=jnp.float32)
    v_ref[...] = jax.lax.dot_general(enc, wv_ref[...], dn,
                                     preferred_element_type=jnp.float32)


def _attn_kernel(q_ref, k_ref, v_ref, o_ref, *, scale):
    q = q_ref[0]
    k = k_ref[0]
    v = v_ref[0]
    s = jax.lax.dot_general(q, k, (((1,), (1,)), ((), ())),
                            preferred_element_type=jnp.float32) * scale
    m = jnp.max(s, axis=-1, keepdims=True)
    p = jnp.exp(s - m)
    l = jnp.sum(p, axis=-1, keepdims=True)
    o = jax.lax.dot_general(p, v, (((1,), (0,)), ((), ())),
                            preferred_element_type=jnp.float32)
    o_ref[0] = o / l


def _out_kernel(x_ref, dec_ref, wo_ref, g_ref, y_ref):
    x = x_ref[...]
    y = jax.lax.dot_general(x, wo_ref[...], (((1,), (1,)), ((), ())),
                            preferred_element_type=jnp.float32)
    y = y + dec_ref[...]
    ms = jnp.mean(y * y, axis=-1, keepdims=True)
    y_ref[...] = y * jax.lax.rsqrt(ms + 1e-6) * g_ref[...]


def kernel(decoder_hidden, encoder_output, Wq, Wk, Wv, Wo, rms_w):
    B, L_dec, D = decoder_hidden.shape
    L_enc = encoder_output.shape[1]
    H = H_
    hd = D // H
    scale = hd ** (-0.5)
    M = B * L_dec
    Me = B * L_enc

    dec2 = decoder_hidden.reshape(M, D)
    enc2 = encoder_output.reshape(Me, D)

    bm, bn = 512, 512
    q2, k2, v2 = pl.pallas_call(
        _qkv_kernel,
        grid=(M // bm, D // bn),
        in_specs=[
            pl.BlockSpec((bm, D), lambda m, n: (m, 0)),
            pl.BlockSpec((bm, D), lambda m, n: (m, 0)),
            pl.BlockSpec((bn, D), lambda m, n: (n, 0)),
            pl.BlockSpec((bn, D), lambda m, n: (n, 0)),
            pl.BlockSpec((bn, D), lambda m, n: (n, 0)),
        ],
        out_specs=[
            pl.BlockSpec((bm, bn), lambda m, n: (m, n)),
            pl.BlockSpec((bm, bn), lambda m, n: (m, n)),
            pl.BlockSpec((bm, bn), lambda m, n: (m, n)),
        ],
        out_shape=[jax.ShapeDtypeStruct((M, D), jnp.float32)] * 3,
        compiler_params=pltpu.CompilerParams(
            dimension_semantics=("parallel", "parallel")),
    )(dec2, enc2, Wq, Wk, Wv)

    qh = q2.reshape(B, L_dec, H, hd).transpose(0, 2, 1, 3).reshape(B * H, L_dec, hd)
    kh = k2.reshape(B, L_enc, H, hd).transpose(0, 2, 1, 3).reshape(B * H, L_enc, hd)
    vh = v2.reshape(B, L_enc, H, hd).transpose(0, 2, 1, 3).reshape(B * H, L_enc, hd)

    bq = 512
    attn_out = pl.pallas_call(
        functools.partial(_attn_kernel, scale=scale),
        grid=(B * H, L_dec // bq),
        in_specs=[
            pl.BlockSpec((1, bq, hd), lambda bh, t: (bh, t, 0)),
            pl.BlockSpec((1, L_enc, hd), lambda bh, t: (bh, 0, 0)),
            pl.BlockSpec((1, L_enc, hd), lambda bh, t: (bh, 0, 0)),
        ],
        out_specs=pl.BlockSpec((1, bq, hd), lambda bh, t: (bh, t, 0)),
        out_shape=jax.ShapeDtypeStruct((B * H, L_dec, hd), jnp.float32),
        compiler_params=pltpu.CompilerParams(
            dimension_semantics=("parallel", "parallel")),
    )(qh, kh, vh)

    x2 = (attn_out.reshape(B, H, L_dec, hd)
          .transpose(0, 2, 1, 3).reshape(M, D))
    g2 = rms_w.reshape(1, D)
    y2 = pl.pallas_call(
        _out_kernel,
        grid=(M // bm,),
        in_specs=[
            pl.BlockSpec((bm, D), lambda m: (m, 0)),
            pl.BlockSpec((bm, D), lambda m: (m, 0)),
            pl.BlockSpec((D, D), lambda m: (0, 0)),
            pl.BlockSpec((1, D), lambda m: (0, 0)),
        ],
        out_specs=pl.BlockSpec((bm, D), lambda m: (m, 0)),
        out_shape=jax.ShapeDtypeStruct((M, D), jnp.float32),
        compiler_params=pltpu.CompilerParams(
            dimension_semantics=("parallel",)),
    )(x2, dec2, Wo, g2)

    return y2.reshape(B, L_dec, D)

# --- scband reference (transcript-rebuilt; emitter-appended) ---
"""Pipeline reference for scband-attention-bridge-72825465471231 (READ-ONLY COPY).

The authoritative reference and input builder live on the scoring server;
editing this copy changes nothing except your own understanding.
"""

import jax, jax.numpy as jnp
import numpy as np

D_MODEL = 1024
NUM_HEADS = 16
HEAD_DIM = D_MODEL // NUM_HEADS


def setup_inputs(seed: int = 0) -> dict:
    key = jax.random.key(seed)
    ks = jax.random.split(key, 7)
    B, L_dec, L_enc = 4, 2048, 2048
    return {
        "decoder_hidden": jax.random.normal(ks[0], (B, L_dec, D_MODEL), dtype=jnp.float32),
        "encoder_output": jax.random.normal(ks[1], (B, L_enc, D_MODEL), dtype=jnp.float32),
        "Wq": 0.02 * jax.random.normal(ks[2], (D_MODEL, D_MODEL), dtype=jnp.float32),
        "Wk": 0.02 * jax.random.normal(ks[3], (D_MODEL, D_MODEL), dtype=jnp.float32),
        "Wv": 0.02 * jax.random.normal(ks[4], (D_MODEL, D_MODEL), dtype=jnp.float32),
        "Wo": 0.02 * jax.random.normal(ks[5], (D_MODEL, D_MODEL), dtype=jnp.float32),
        "rms_w": jnp.ones((D_MODEL,), dtype=jnp.float32),
    }


def reference(decoder_hidden, encoder_output, Wq, Wk, Wv, Wo, rms_w):
    B, L_dec, D = decoder_hidden.shape
    L_enc = encoder_output.shape[1]
    H = NUM_HEADS
    hd = D // H
    scale = hd ** (-0.5)
    # Projections (nn.Linear with bias=False: y = x @ W.T)
    q = decoder_hidden @ Wq.T
    k = encoder_output @ Wk.T
    v = encoder_output @ Wv.T
    # [B, L, D] -> [B, H, L, hd]
    qh = q.reshape(B, L_dec, H, hd).transpose(0, 2, 1, 3)
    kh = k.reshape(B, L_enc, H, hd).transpose(0, 2, 1, 3)
    vh = v.reshape(B, L_enc, H, hd).transpose(0, 2, 1, 3)
    # SDP attention kernel
    scores = jnp.einsum('bhtd,bhsd->bhts', qh, kh) * scale
    attn = jax.nn.softmax(scores, axis=-1)
    out = jnp.einsum('bhts,bhsd->bhtd', attn, vh)
    # merge heads: [B, H, L, hd] -> [B, L, D]
    out = out.transpose(0, 2, 1, 3).reshape(B, L_dec, D)
    out = out @ Wo.T
    # residual + RMSNorm
    y = decoder_hidden + out
    ms = jnp.mean(y * y, axis=-1, keepdims=True)
    return y * jax.lax.rsqrt(ms + 1e-6) * rms_w

if __name__ == "__main__":
    import jax
    _d = setup_inputs()
    print(jax.jit(kernel)(*tuple(_d.values())))

</pallas_src>

<mosaic_0001>
module attributes {stable_mosaic.version = 14 : i64} {
  func.func @_attn_kernel(%arg0: i32, %arg1: i32, %arg2: memref<1x512x64xf32, #tpu.memory_space<vmem>>, %arg3: memref<1x2048x64xf32, #tpu.memory_space<vmem>>, %arg4: memref<1x2048x64xf32, #tpu.memory_space<vmem>>, %arg5: memref<1x512x64xf32, #tpu.memory_space<vmem>>) attributes {dimension_semantics = [#tpu.dimension_semantics<parallel>, #tpu.dimension_semantics<parallel>], iteration_bounds = array<i64: 64, 4>, scalar_prefetch = 0 : i64, scratch_operands = 0 : i64, tpu.core_type = #tpu.core_type<tc>, window_params = [{transform_indices = @transform_0, window_bounds = array<i64: 1, 512, 64>}, {transform_indices = @transform_1, window_bounds = array<i64: 1, 2048, 64>}, {transform_indices = @transform_2, window_bounds = array<i64: 1, 2048, 64>}, {transform_indices = @transform_3, window_bounds = array<i64: 1, 512, 64>}]} {
    %get3A = arith.constant 0 : index
    %get3A_0 = arith.constant 0 : index
    %get3A_1 = arith.constant 0 : index
    %get3A_2 = vector.load %arg2[%get3A, %get3A_0, %get3A_1] : memref<1x512x64xf32, #tpu.memory_space<vmem>>, vector<1x512x64xf32>
    %get3A_3 = vector.shape_cast %get3A_2 : vector<1x512x64xf32> to vector<512x64xf32>
    %get3A_4 = arith.constant 0 : index
    %get3A_5 = arith.constant 0 : index
    %get3A_6 = arith.constant 0 : index
    %get3A_7 = vector.load %arg3[%get3A_4, %get3A_5, %get3A_6] : memref<1x2048x64xf32, #tpu.memory_space<vmem>>, vector<1x2048x64xf32>
    %get3A_8 = vector.shape_cast %get3A_7 : vector<1x2048x64xf32> to vector<2048x64xf32>
    %get3A_9 = arith.constant 0 : index
    %get3A_10 = arith.constant 0 : index
    %get3A_11 = arith.constant 0 : index
    %get3A_12 = vector.load %arg4[%get3A_9, %get3A_10, %get3A_11] : memref<1x2048x64xf32, #tpu.memory_space<vmem>>, vector<1x2048x64xf32>
    %get3A_13 = vector.shape_cast %get3A_12 : vector<1x2048x64xf32> to vector<2048x64xf32>
    %dot_general3A = arith.constant dense<0.000000e+00> : vector<512x2048xf32>
    %dot_general3A_14 = tpu.matmul %get3A_3, %get3A_8, %dot_general3A {dimension_numbers = #tpu.dot_dimension_numbers<[1], [1], [0], [0], [0, 0, 1, 0], [], []>, transpose_lhs_hint = false} : vector<512x64xf32>, vector<2048x64xf32>, vector<512x2048xf32> -> vector<512x2048xf32>
    %mul3A = arith.constant 1.250000e-01 : f32
    %mul3A_15 = vector.broadcast %mul3A : f32 to vector<512x2048xf32>
    %mul3A_16 = arith.mulf %dot_general3A_14, %mul3A_15 : vector<512x2048xf32>
    %reduce_max3A = arith.constant dense<0xFF800000> : vector<512xf32>
    %reduce_max3A_17 = vector.multi_reduction <maximumf>, %mul3A_16, %reduce_max3A [1] : vector<512x2048xf32> to vector<512xf32>
    %broadcast_in_dim3A = vector.shape_cast %reduce_max3A_17 : vector<512xf32> to vector<512x1xf32>
    %sub3A = vector.broadcast %broadcast_in_dim3A : vector<512x1xf32> to vector<512x2048xf32>
    %sub3A_18 = arith.subf %mul3A_16, %sub3A : vector<512x2048xf32>
    %exp3A = math.exp %sub3A_18 : vector<512x2048xf32>
    %reduce_sum3A = arith.constant dense<0.000000e+00> : vector<512xf32>
    %reduce_sum3A_19 = vector.multi_reduction <add>, %exp3A, %reduce_sum3A [1] : vector<512x2048xf32> to vector<512xf32>
    %broadcast_in_dim3A_20 = vector.shape_cast %reduce_sum3A_19 : vector<512xf32> to vector<512x1xf32>
    %dot_general3A_21 = arith.constant dense<0.000000e+00> : vector<512x64xf32>
    %dot_general3A_22 = tpu.matmul %exp3A, %get3A_13, %dot_general3A_21 {dimension_numbers = #tpu.dot_dimension_numbers<[1], [0], [0], [1], [0, 0, 1, 1], [], []>, transpose_lhs_hint = false} : vector<512x2048xf32>, vector<2048x64xf32>, vector<512x64xf32> -> vector<512x64xf32>
    %div3A = vector.broadcast %broadcast_in_dim3A_20 : vector<512x1xf32> to vector<512x64xf32>
    %div3A_23 = arith.divf %dot_general3A_22, %div3A : vector<512x64xf32>
    %swap3A = arith.constant 0 : index
    %swap3A_24 = arith.constant 0 : index
    %swap3A_25 = arith.constant 0 : index
    %swap3A_26 = vector.load %arg5[%swap3A, %swap3A_24, %swap3A_25] : memref<1x512x64xf32, #tpu.memory_space<vmem>>, vector<1x512x64xf32>
    %swap3A_27 = vector.shape_cast %swap3A_26 : vector<1x512x64xf32> to vector<512x64xf32>
    %swap3A_28 = vector.shape_cast %div3A_23 : vector<512x64xf32> to vector<1x512x64xf32>
    tpu.vector_store %arg5[%swap3A, %swap3A_24, %swap3A_25], %swap3A_28 {strides = array<i32>} : memref<1x512x64xf32, #tpu.memory_space<vmem>>, vector<1x512x64xf32>,
    return
  }
  func.func @transform_0(%arg0: i32, %arg1: i32) -> (i32, i32, i32) {
    %c0_i32 = arith.constant 0 : i32
    %c0_i32_0 = arith.constant 0 : i32
    return %arg0, %arg1, %c0_i32 : i32, i32, i32
  }
  func.func @transform_1(%arg0: i32, %arg1: i32) -> (i32, i32, i32) {
    %c0_i32 = arith.constant 0 : i32
    %c0_i32_0 = arith.constant 0 : i32
    %c0_i32_1 = arith.constant 0 : i32
    return %arg0, %c0_i32, %c0_i32_0 : i32, i32, i32
  }
  func.func @transform_2(%arg0: i32, %arg1: i32) -> (i32, i32, i32) {
    %c0_i32 = arith.constant 0 : i32
    %c0_i32_0 = arith.constant 0 : i32
    %c0_i32_1 = arith.constant 0 : i32
    return %arg0, %c0_i32, %c0_i32_0 : i32, i32, i32
  }
  func.func @transform_3(%arg0: i32, %arg1: i32) -> (i32, i32, i32) {
    %c0_i32 = arith.constant 0 : i32
    %c0_i32_0 = arith.constant 0 : i32
    return %arg0, %arg1, %c0_i32 : i32, i32, i32
  }
}

module attributes {stable_mosaic.version = 14 : i64} {
  func.func @_qkv_kernel(%arg0: i32, %arg1: i32, %arg2: memref<512x1024xf32, #tpu.memory_space<vmem>>, %arg3: memref<512x1024xf32, #tpu.memory_space<vmem>>, %arg4: memref<512x1024xf32, #tpu.memory_space<vmem>>, %arg5: memref<512x1024xf32, #tpu.memory_space<vmem>>, %arg6: memref<512x1024xf32, #tpu.memory_space<vmem>>, %arg7: memref<512x512xf32, #tpu.memory_space<vmem>>, %arg8: memref<512x512xf32, #tpu.memory_space<vmem>>, %arg9: memref<512x512xf32, #tpu.memory_space<vmem>>) attributes {dimension_semantics = [#tpu.dimension_semantics<parallel>, #tpu.dimension_semantics<parallel>], iteration_bounds = array<i64: 16, 2>, scalar_prefetch = 0 : i64, scratch_operands = 0 : i64, tpu.core_type = #tpu.core_type<tc>, window_params = [{transform_indices = @transform_0, window_bounds = array<i64: 512, 1024>}, {transform_indices = @transform_1, window_bounds = array<i64: 512, 1024>}, {transform_indices = @transform_2, window_bounds = array<i64: 512, 1024>}, {transform_indices = @transform_3, window_bounds = array<i64: 512, 1024>}, {transform_indices = @transform_4, window_bounds = array<i64: 512, 1024>}, {transform_indices = @transform_5, window_bounds = array<i64: 512, 512>}, {transform_indices = @transform_6, window_bounds = array<i64: 512, 512>}, {transform_indices = @transform_7, window_bounds = array<i64: 512, 512>}]} {
    %get3A = arith.constant 0 : index
    %get3A_0 = arith.constant 0 : index
    %get3A_1 = vector.load %arg2[%get3A, %get3A_0] : memref<512x1024xf32, #tpu.memory_space<vmem>>, vector<512x1024xf32>
    %get3A_2 = arith.constant 0 : index
    %get3A_3 = arith.constant 0 : index
    %get3A_4 = vector.load %arg3[%get3A_2, %get3A_3] : memref<512x1024xf32, #tpu.memory_space<vmem>>, vector<512x1024xf32>
    %get3A_5 = arith.constant 0 : index
    %get3A_6 = arith.constant 0 : index
    %get3A_7 = vector.load %arg4[%get3A_5, %get3A_6] : memref<512x1024xf32, #tpu.memory_space<vmem>>, vector<512x1024xf32>
    %dot_general3A = arith.constant dense<0.000000e+00> : vector<512x512xf32>
    %dot_general3A_8 = tpu.matmul %get3A_1, %get3A_7, %dot_general3A {dimension_numbers = #tpu.dot_dimension_numbers<[1], [1], [0], [0], [0, 0, 1, 0], [], []>, transpose_lhs_hint = false} : vector<512x1024xf32>, vector<512x1024xf32>, vector<512x512xf32> -> vector<512x512xf32>
    %swap3A = arith.constant 0 : index
    %swap3A_9 = arith.constant 0 : index
    %swap3A_10 = vector.load %arg7[%swap3A, %swap3A_9] : memref<512x512xf32, #tpu.memory_space<vmem>>, vector<512x512xf32>
    tpu.vector_store %arg7[%swap3A, %swap3A_9], %dot_general3A_8 {strides = array<i32>} : memref<512x512xf32, #tpu.memory_space<vmem>>, vector<512x512xf32>,
    %get3A_11 = arith.constant 0 : index
    %get3A_12 = arith.constant 0 : index
    %get3A_13 = vector.load %arg5[%get3A_11, %get3A_12] : memref<512x1024xf32, #tpu.memory_space<vmem>>, vector<512x1024xf32>
    %dot_general3A_14 = arith.constant dense<0.000000e+00> : vector<512x512xf32>
    %dot_general3A_15 = tpu.matmul %get3A_4, %get3A_13, %dot_general3A_14 {dimension_numbers = #tpu.dot_dimension_numbers<[1], [1], [0], [0], [0, 0, 1, 0], [], []>, transpose_lhs_hint = false} : vector<512x1024xf32>, vector<512x1024xf32>, vector<512x512xf32> -> vector<512x512xf32>
    %swap3A_16 = arith.constant 0 : index
    %swap3A_17 = arith.constant 0 : index
    %swap3A_18 = vector.load %arg8[%swap3A_16, %swap3A_17] : memref<512x512xf32, #tpu.memory_space<vmem>>, vector<512x512xf32>
    tpu.vector_store %arg8[%swap3A_16, %swap3A_17], %dot_general3A_15 {strides = array<i32>} : memref<512x512xf32, #tpu.memory_space<vmem>>, vector<512x512xf32>,
    %get3A_19 = arith.constant 0 : index
    %get3A_20 = arith.constant 0 : index
    %get3A_21 = vector.load %arg6[%get3A_19, %get3A_20] : memref<512x1024xf32, #tpu.memory_space<vmem>>, vector<512x1024xf32>
    %dot_general3A_22 = arith.constant dense<0.000000e+00> : vector<512x512xf32>
    %dot_general3A_23 = tpu.matmul %get3A_4, %get3A_21, %dot_general3A_22 {dimension_numbers = #tpu.dot_dimension_numbers<[1], [1], [0], [0], [0, 0, 1, 0], [], []>, transpose_lhs_hint = false} : vector<512x1024xf32>, vector<512x1024xf32>, vector<512x512xf32> -> vector<512x512xf32>
    %swap3A_24 = arith.constant 0 : index
    %swap3A_25 = arith.constant 0 : index
    %swap3A_26 = vector.load %arg9[%swap3A_24, %swap3A_25] : memref<512x512xf32, #tpu.memory_space<vmem>>, vector<512x512xf32>
    tpu.vector_store %arg9[%swap3A_24, %swap3A_25], %dot_general3A_23 {strides = array<i32>} : memref<512x512xf32, #tpu.memory_space<vmem>>, vector<512x512xf32>,
    return
  }
  func.func @transform_0(%arg0: i32, %arg1: i32) -> (i32, i32) {
    %c0_i32 = arith.constant 0 : i32
    %c0_i32_0 = arith.constant 0 : i32
    return %arg0, %c0_i32 : i32, i32
  }
  func.func @transform_1(%arg0: i32, %arg1: i32) -> (i32, i32) {
    %c0_i32 = arith.constant 0 : i32
    %c0_i32_0 = arith.constant 0 : i32
    return %arg0, %c0_i32 : i32, i32
  }
  func.func @transform_2(%arg0: i32, %arg1: i32) -> (i32, i32) {
    %c0_i32 = arith.constant 0 : i32
    %c0_i32_0 = arith.constant 0 : i32
    return %arg1, %c0_i32 : i32, i32
  }
  func.func @transform_3(%arg0: i32, %arg1: i32) -> (i32, i32) {
    %c0_i32 = arith.constant 0 : i32
    %c0_i32_0 = arith.constant 0 : i32
    return %arg1, %c0_i32 : i32, i32
  }
  func.func @transform_4(%arg0: i32, %arg1: i32) -> (i32, i32) {
    %c0_i32 = arith.constant 0 : i32
    %c0_i32_0 = arith.constant 0 : i32
    return %arg1, %c0_i32 : i32, i32
  }
  func.func @transform_5(%arg0: i32, %arg1: i32) -> (i32, i32) {
    %c0_i32 = arith.constant 0 : i32
    return %arg0, %arg1 : i32, i32
  }
  func.func @transform_6(%arg0: i32, %arg1: i32) -> (i32, i32) {
    %c0_i32 = arith.constant 0 : i32
    return %arg0, %arg1 : i32, i32
  }
  func.func @transform_7(%arg0: i32, %arg1: i32) -> (i32, i32) {
    %c0_i32 = arith.constant 0 : i32
    return %arg0, %arg1 : i32, i32
  }
}

module attributes {stable_mosaic.version = 14 : i64} {
  func.func @_out_kernel(%arg0: i32, %arg1: memref<512x1024xf32, #tpu.memory_space<vmem>>, %arg2: memref<512x1024xf32, #tpu.memory_space<vmem>>, %arg3: memref<1024x1024xf32, #tpu.memory_space<vmem>>, %arg4: memref<1x1024xf32, #tpu.memory_space<vmem>>, %arg5: memref<512x1024xf32, #tpu.memory_space<vmem>>) attributes {dimension_semantics = [#tpu.dimension_semantics<parallel>], iteration_bounds = array<i64: 16>, scalar_prefetch = 0 : i64, scratch_operands = 0 : i64, tpu.core_type = #tpu.core_type<tc>, window_params = [{transform_indices = @transform_0, window_bounds = array<i64: 512, 1024>}, {transform_indices = @transform_1, window_bounds = array<i64: 512, 1024>}, {pipeline_mode = #tpu.pipeline_mode<synchronous>, transform_indices = @transform_2, window_bounds = array<i64: 1024, 1024>}, {pipeline_mode = #tpu.pipeline_mode<synchronous>, transform_indices = @transform_3, window_bounds = array<i64: 1, 1024>}, {transform_indices = @transform_4, window_bounds = array<i64: 512, 1024>}]} {
    %get3A = arith.constant 0 : index
    %get3A_0 = arith.constant 0 : index
    %get3A_1 = vector.load %arg1[%get3A, %get3A_0] : memref<512x1024xf32, #tpu.memory_space<vmem>>, vector<512x1024xf32>
    %get3A_2 = arith.constant 0 : index
    %get3A_3 = arith.constant 0 : index
    %get3A_4 = vector.load %arg3[%get3A_2, %get3A_3] : memref<1024x1024xf32, #tpu.memory_space<vmem>>, vector<1024x1024xf32>
    %dot_general3A = arith.constant dense<0.000000e+00> : vector<512x1024xf32>
    %dot_general3A_5 = tpu.matmul %get3A_1, %get3A_4, %dot_general3A {dimension_numbers = #tpu.dot_dimension_numbers<[1], [1], [0], [0], [0, 0, 1, 0], [], []>, transpose_lhs_hint = false} : vector<512x1024xf32>, vector<1024x1024xf32>, vector<512x1024xf32> -> vector<512x1024xf32>
    %get3A_6 = arith.constant 0 : index
    %get3A_7 = arith.constant 0 : index
    %get3A_8 = vector.load %arg2[%get3A_6, %get3A_7] : memref<512x1024xf32, #tpu.memory_space<vmem>>, vector<512x1024xf32>
    %add3A = arith.addf %dot_general3A_5, %get3A_8 : vector<512x1024xf32>
    %mul3A = arith.mulf %add3A, %add3A : vector<512x1024xf32>
    %reduce_sum3A = arith.constant dense<0.000000e+00> : vector<512xf32>
    %reduce_sum3A_9 = vector.multi_reduction <add>, %mul3A, %reduce_sum3A [1] : vector<512x1024xf32> to vector<512xf32>
    %broadcast_in_dim3A = vector.shape_cast %reduce_sum3A_9 : vector<512xf32> to vector<512x1xf32>
    %div3A = arith.constant 1.024000e+03 : f32
    %div3A_10 = vector.broadcast %div3A : f32 to vector<512x1xf32>
    %div3A_11 = arith.divf %broadcast_in_dim3A, %div3A_10 : vector<512x1xf32>
    %add3A_12 = arith.constant 9.99999997E-7 : f32
    %add3A_13 = vector.broadcast %add3A_12 : f32 to vector<512x1xf32>
    %add3A_14 = arith.addf %div3A_11, %add3A_13 : vector<512x1xf32>
    %rsqrt3A = math.rsqrt %add3A_14 : vector<512x1xf32>
    %mul3A_15 = vector.broadcast %rsqrt3A : vector<512x1xf32> to vector<512x1024xf32>
    %mul3A_16 = arith.mulf %add3A, %mul3A_15 : vector<512x1024xf32>
    %get3A_17 = arith.constant 0 : index
    %get3A_18 = arith.constant 0 : index
    %get3A_19 = vector.load %arg4[%get3A_17, %get3A_18] : memref<1x1024xf32, #tpu.memory_space<vmem>>, vector<1x1024xf32>
    %mul3A_20 = vector.broadcast %get3A_19 : vector<1x1024xf32> to vector<512x1024xf32>
    %mul3A_21 = arith.mulf %mul3A_16, %mul3A_20 : vector<512x1024xf32>
    %swap3A = arith.constant 0 : index
    %swap3A_22 = arith.constant 0 : index
    %swap3A_23 = vector.load %arg5[%swap3A, %swap3A_22] : memref<512x1024xf32, #tpu.memory_space<vmem>>, vector<512x1024xf32>
    tpu.vector_store %arg5[%swap3A, %swap3A_22], %mul3A_21 {strides = array<i32>} : memref<512x1024xf32, #tpu.memory_space<vmem>>, vector<512x1024xf32>,
    return
  }
  func.func @transform_0(%arg0: i32) -> (i32, i32) {
    %c0_i32 = arith.constant 0 : i32
    %c0_i32_0 = arith.constant 0 : i32
    return %arg0, %c0_i32 : i32, i32
  }
  func.func @transform_1(%arg0: i32) -> (i32, i32) {
    %c0_i32 = arith.constant 0 : i32
    %c0_i32_0 = arith.constant 0 : i32
    return %arg0, %c0_i32 : i32, i32
  }
  func.func @transform_2(%arg0: i32) -> (i32, i32) {
    %c0_i32 = arith.constant 0 : i32
    %c0_i32_0 = arith.constant 0 : i32
    %c0_i32_1 = arith.constant 0 : i32
    return %c0_i32, %c0_i32_0 : i32, i32
  }
  func.func @transform_3(%arg0: i32) -> (i32, i32) {
    %c0_i32 = arith.constant 0 : i32
    %c0_i32_0 = arith.constant 0 : i32
    %c0_i32_1 = arith.constant 0 : i32
    return %c0_i32, %c0_i32_0 : i32, i32
  }
  func.func @transform_4(%arg0: i32) -> (i32, i32) {
    %c0_i32 = arith.constant 0 : i32
    %c0_i32_0 = arith.constant 0 : i32
    return %arg0, %c0_i32 : i32, i32
  }
}

</mosaic_0001>

<sc_bundles>
// kernel: sparse-core-data-format-call.1.cloned.1.call-start
scs
called_computation.1_lowered:
.L_overlay_start_0:
0x0: {  	s1 =	sld [smem:$0x3FD9]  }
0x1: {  	s2 =	sld [smem:$0x3FFE];
	_ =	sdelay $0x1  }
0x2: {  	s3 =	srdreg.scid  }
0x3: {  	s0 =	sand.u32 $0x1, s3  }
0x4: {  	s17 =	sshll.u32 s0, $0xA;
	s1 =	sadd.s32 s2, s1  }
0x5: {  	s1 =	sadd.s32 s1, s17  }
0x6: {  	[smem:$0x3FC1] =	sst s1  }
0x7: {  	_ = 	snop  }
0x8: {  	(tm) =	ssettm $0x1  }
0x9: {  	s18 =	sld [smem:$0x3FFB];
	_ =	sdelay $0x3  }
0xa: {  	_ =	strace s18  }
0xb: {  	s1 =	sld [smem:$0x3FFC];
	_ =	sdelay $0x3  }
0xc: {  	_ =	strace s1  }
0xd: {  	s1 =	sld [smem:$0x3FFD];
	_ =	sdelay $0x3  }
0xe: {  	_ =	strace s1  }
0xf: {  	_ =	strace $0x8FFFFFFF  }
0x10: {  	s19 =	sld [smem:$0x3FDB];
	_ =	sdelay $0x1  }
0x11: {  	s20 =	simm.s32 $_scs_section_size  }
0x12: {  	s4 =	simm.s32 $_size__tile_overlayer_lowered;
	s5 =	simm.s32 $_tile_overlayer_lowered  }
0x13: {  	s23 =	simm.s32 $0x1BFF;
	s22 =	sshll.u32 s5, $0x1;
	s1 =	sadd.s32 s20, s19  }
0x14: {  	s6 =	simm.s32 $0x0;
	s21 =	sshll.u32 s4, $0x1;
	s4 =	sadd.s32 s22, s1  }
0x15: {  	[timem:s6], [sflag:s23] =	dma.local [hbm:s4], s21  }
0x16: {  	_ =	swait.ge [sflag:s23], s21  }
0x17: {  	s2 =	ssub.s32 $0x0, s21;
	[sflag:s23] =	ssyncset.done $0x0  }
0x18: {  	[sflag:s23] =	ssyncadd.s32 s2;
	_ =	sdelay $0x1  }
0x19: {  	s24 =	simm.s32 $0x1B8B  }
0x1a: {  	_ =	swait.ge [sflag:s24], $0x1  }
0x1b: {  	[sflag:s24] =	ssyncset.done $0x0  }
0x1c: {  	s26 =	simm.s32 $0x1B8E;
	s25 =	sld [smem:$0x3FFE];
	[sflag:s24] =	ssyncadd.s32 $0xFFFFFFFF  }
0x1d: {  	s27 =	simm.s32 $execute0_lowered;
	[smem:$0x3FD2] =	sst s26  }
0x1e: {  	s4 =	sshll.u32 s27, $0x1;
	_ =	strace $0x8000004F;
	[dreg:$0x1] =	wrdreg $0xFFFFFFFF  }
0x1f: {  	s28 =	simm.s32 $_size_execute0_lowered;
	s1 =	sadd.s32 s1, s4;
	[dreg:$0x0] =	wrdreg $0x0  }
0x20: {  	s4 =	sshll.u32 s28, $0x1;
	[dreg:$0x2] =	wrdreg s1  }
0x21: {  	[dreg:$0x3] =	wrdreg s4  }
0x22: {  	[dreg:$0x4] =	wrdreg $0xC0  }
0x23: {  	_ =	task [dreg:s6], $0x5FFFF  }
0x24: {  	[dreg:$0x1] =	wrdreg $0xFFFFFFFF  }
0x25: {  	[dreg:$0x0] =	wrdreg $0x60  }
0x26: {  	[dreg:$0x2] =	wrdreg s25  }
0x27: {  	[dreg:$0x3] =	wrdreg $0x9  }
0x28: {  	_ =	task.clear_ibuf [dreg:s6], $0x4FFFF;
	_ =	strace $0x9000004F  }
0x29: {  	s29 =	simm.s32 $0x9;
	_ =	strace $0x80000051  }
0x2a: {  	_ =	swait.ge [sflag:s29], $0x1  }
0x2b: {  	[sflag:s29] =	ssyncadd.s32 $0xFFFFFFFF  }
0x2c: {  	_ =	strace $0x90000051  }
0x2d: {  	_ =	sfence  }
0x2e: {  	s30 =	sld [smem:$0x0];
	_ =	sdelay $0x2  }
0x2f: {  	s31 =	sshll.u32 s3, $0xD;
	s3 =	sshrl.u32 s3, $0x2  }
0x30: {  	s2 =	sand.u32 $0x4000, s31;
	s1 =	sadd.s32 s3, s30  }
0x31: {  	s0 =	sor.u32 s2, s0;
	s1 =	sshll.u32 s1, $0x11  }
0x32: {  	s0 =	sor.u32 s1, s0  }
0x33: {  	s0 =	sadd.s32 $0x8F2B, s0  }
0x34: {  	[sflag:s0] =	ssyncadd.remote.s32 $0x1  }
0x35: {  	_ =	sfence.sel $0xFFFF  }
0x36: {  	[dreg:$0x0] =	wrdreg $0xFFFFFFFF;
	(pc) =	sbr.abs _section_cstart, $3  }
0x37: {  	[dreg:$0x1] =	wrdreg $0xFFFFFFFF  }
0x38: {  	_ =	task.clear_ibuf [dreg:s6], $0x2FFFF;
	_ =	strace $0x9FFFFFFF  }
0x39: {  	(tm) =	ssettm $0x7FFFFFFF  }
tec
execute0_lowered:
.L_overlay_start_1:
0x0: {  	(tag) =	ssettag $0x1  }
0x1: {  	s1 =	srdreg.scid;
	s0 =	stileid.u32  }
0x2: {  	s8 =	rddreg [dreg:$0x0];
	s7 =	simm.s32 $0x0;
	s1 =	sshll.u32 s1, $0x4  }
0x3: {  	s5 =	simm.s32 $0x1;
	s9 =	simm.s32 $0x2;
	s1 =	sor.u32 s0, s1  }
0x4: {  	s15 =	simm.s32 $0x0;
	s10 =	simm.s32 $0x2000;
	s1 =	sshrl.u32 s1, $0x1  }
0x5: {  	s16 =	simm.s32 $0x0;
	s17 =	simm.s32 $0x0;
	s2 =	sand.u32 $0xE, s1  }
0x6: {  	s11 =	simm.s32 $0x0;
	s14 =	simm.s32 $0x0;
	s6 =	ssub.s32 $0x10, s2  }
0x7: {  	s3 =	sadd.s32 $0x2000, s8;
	s1 =	rddreg [dreg:$0x1];
	s4 =	sand.u32 $0xE, s6  }
.Ltmp0:
0x8: {  	_ =	strace $0x80000050;
	p0 =	seq.s32 s4, $0x0;
	(pc) =	sbr.rel .LBB1_1-.Ltmp0, $4  }
0x9: {  	[sflag:s5] =	ssyncpa.u1 $0x0;
	s12 =	smov.u32 s2;
	s7 =	simm.s32 @!p0 $0x10  }
0xa: {  	[sflag:s9] =	ssyncpa.u1 $0x0;
	s4 =	sadd.s32 $0x202000, s8;
	s7 =	sadd.s32 s6, s7  }
0xb: {  	s8 =	sadd.s32 $0xA000, s8;
	s6 =	sand.u32 $0x3, s0;
	s7 =	sand.u32 $0x30, s7  }
0xc: {  	p0 =	por $0x0, $0x0;
	s13 =	smov.u32 s6;
	s9 =	sor.u32 $0x1, s7  }
.LBB1_7:
0xd: {  	s18 =	sadd.s32 $0x80, s11  }
0xe: {  	s15 =	sadd.s32 $0x10, s12;
	s19 =	smov.u32 s12;
	p2 =	sgt.s32 s18, $0x7FF  }
0xf: {  	s19 =	smov.u32 @p2 s15  }
0x10: {  	s21 =	smov.u32 s13;
	s15 =	sadd.s32 $0x4, s13;
	p3 =	sgt.s32 s19, $0xF  }
0x11: {  	s21 =	smov.u32 @p3 s15  }
0x12: {  	s18 =	simm.s32 @p2 $0x0;
	p2 =	sgt.s32 s21, $0x3  }
0x13: {  	p1 =	slt.u32 s14, $0x2;
	s21 =	smov.u32 @p2 s6;
	p2 =	sne.s32 s14, s9  }
.Ltmp1:
0x14: {  	s20 =	simm.s32 @!p1 $0x2;
	(pc) =	sbr.rel @!p2 .LBB1_8-.Ltmp1, $4  }
0x15: {  	s16 =	smov.u32 s12;
	s17 =	smov.u32 s13;
	_ =	swait.ge @!p1 [sflag:s20], $0x4000  }
0x16: {  	p0 =	por !p0, !p0;
	[sflag:s20] =	ssyncset.done @!p1 $0x0;
	s19 =	smov.u32 @p3 s2  }
0x17: {  	s15 =	smov.u32 s11;
	[sflag:s20] =	ssyncadd.s32 @!p1 $0xFFFFC000;
	s11 =	smov.u32 s18  }
0x18: {  	s12 =	smov.u32 s19;
	s14 =	sadd.s32 $0x1, s14;
	s13 =	smov.u32 s21  }
.LBB1_1:
0x19: {  	p1 =	sge.u32 s14, s7  }
0x1a: {  	s18 =	sxor.u32 @!p1 $0xFFFFFFFF, s14;
	s19 =	sshll.u32 @!p1 s13, $0x13  }
0x1b: {  	s20 =	sshll.u32 @!p1 s12, $0xF;
	s22 =	sshll.u32 @!p1 s11, $0x4;
	s23 =	simm.s32 @!p1 $0x40  }
0x1c: {  	s24 =	simm.s32 @!p1 $0x80;
	s18 =	sshll.u32 @!p1 s18, $0xE;
	s21 =	sadd.s32 @!p1 s19, s20  }
0x1d: {  	s22 =	sand.u32 @!p1 $0x7FF0, s22;
	s19 =	sadd.s32 @!p1 s19, s8;
	s21 =	sadd.s32 @!p1 s3, s21  }
0x1e: {  	s18 =	sand.u32 @!p1 $0x4000, s18;
	s19 =	sadd.s32 @!p1 s20, s19;
	s21 =	sadd.s32 @!p1 s22, s21  }
0x1f: {  	[tilespmem:s18], [sflag:$0x1] =	stream.strided.gather @!p1 [hbm4b:s21+s23], $0x2000, s24, s23, $0x38;
	[tilespmem:$0x10100] =	vst v63  }
0x20: {  	s31 =	sadd.s32 $0xFFFFFFFF, s14;
	s19 =	sadd.s32 @!p1 s22, s19;
	s18 =	sor.u32 @!p1 $0x2000, s18  }
0x21: {  	[tilespmem:s18], [sflag:$0x1] =	stream.strided.gather @!p1 [hbm4b:s19+s23], $0x2000, s24, s23, $0x38;
	[tilespmem:$0x10100] =	vst v63  }
0x22: {  	p1 =	sge.u32 s31, s7  }
.Ltmp2:
0x23: {  	_ = 	snop;
	(pc) =	sbr.rel @p1 .LBB1_7-.Ltmp2, $1  }
0x24: {  	_ =	sdelay $0x3  }
0x25: {  	s18 =	simm.s32 $0x1;
	s20 =	sand.u32 $0x1, s14  }
0x26: {  	_ =	swait.ge [sflag:s5], $0x4000;
	s18 =	simm.s32 @!p0 $0x0;
	s20 =	smul.u32 $0x10200, s20  }
0x27: {  	p2 =	por $0x1, $0x1;
	[sflag:s5] =	ssyncset.done $0x0;
	s19 =	smul.u32 $0x10200, s18  }
0x28: {  	s21 =	sshll.u32 s18, $0x10;
	[sflag:s5] =	ssyncadd.s32 $0xFFFFC000;
	s30 =	sshrl.u32 s20, $0x2  }
0x29: {  	s31 =	sshrl.u32 s21, $0x2;
	s21 =	simm.s32 $0x0;
	s19 =	sshrl.u32 s19, $0x2  }
0x2a: {  	s18 =	sor.u32 $0x8000, s30;
	s20 =	sadd.s32 $0x20, s31;
	s19 =	sor.u32 $0x8000, s19  }
.LBB1_3:
0x2b: {  	s22 =	sshll.u32 s21, $0xD  }
0x2c: {  	s22 =	sand.u32 $0x3FFFE000, s22  }
0x2d: {  	s24 =	sadd.s32 s22, s20  }
0x2e: {  	s31 =	smul.u32 $0x8100, s21;
	v3 =	vld [tilespmem:s24+$0x10]  }
0x2f: {  	v1 =	vld [tilespmem:s24+$0xFFFFFFF0]  }
0x30: {  	s21 =	sshra.s32 s31, $0x2;
	v0 =	vld [tilespmem:s24+$0x0]  }
0x31: {  	s21 =	sadd.s32 s21, s19;
	v2 =	vld [tilespmem:s24+$0xFFFFFFE0]  }
0x32: {  	s22 =	sadd.s32 $0x0, s21  }
0x33: {  	p1 =	por p2, p2;
	s23 =	simm.s32 $0x4;
	s24 =	sadd.s32 $0x40, s24;
	[tilespmem:s22+$0x1830 ss:$0x81] =	vst.msk $0xffff, v3  }
.LBB1_4:
0x34: {  	v3 =	vld [tilespmem:s24+$0x10];
	p2 =	sne.s32 s23, $0x1FC;
	[tilespmem:s22+$0x810 ss:$0x81] =	vst.msk $0xffff, v1;
	s25 =	smov.u32 s23;
	s23 =	sadd.s32 $0x4, s23  }
.Ltmp3:
0x35: {  	v1 =	vld [tilespmem:s24+$0xFFFFFFF0];
	[tilespmem:s22+$0x1020 ss:$0x81] =	vst.msk $0xffff, v0;
	(pc) =	sbr.rel @p2 .LBB1_4-.Ltmp3, $4  }
0x36: {  	v0 =	vld [tilespmem:s24+$0x0];
	[tilespmem:s22+$0x0 ss:$0x81] =	vst.msk $0xffff, v2  }
0x37: {  	s22 =	sshra.s32 s25, $0x2;
	v2 =	vld [tilespmem:s24+$0xFFFFFFE0]  }
0x38: {  	s22 =	sadd.s32 s22, s21  }
0x39: {  	s24 =	sadd.s32 $0x40, s24;
	[tilespmem:s22+$0x1830 ss:$0x81] =	vst.msk $0xffff, v3  }
.Ltmp4:
0x3a: {  	(pc) =	sbr.rel @p1 .LBB1_3-.Ltmp4, $4  }
0x3b: {  	_ = 	snop  }
0x3c: {  	[tilespmem:s22+$0x810 ss:$0x81] =	vst.msk $0xffff, v1  }
0x3d: {  	[tilespmem:s22+$0x1020 ss:$0x81] =	vst.msk $0xffff, v0  }
0x3e: {  	s21 =	simm.s32 $0x1;
	p2 =	por $0x0, $0x0;
	[tilespmem:s22+$0x0 ss:$0x81] =	vst.msk $0xffff, v2  }
0x3f: {  	s17 =	sshll.u32 s17, $0x7  }
0x40: {  	s19 =	sand.u32 $0x78, s15;
	s20 =	sshll.u32 s15, $0x2;
	s16 =	sshll.u32 s16, $0x10  }
0x41: {  	s30 =	sshrl.u32 s15, $0x1;
	s31 =	sand.u32 $0x7, s15;
	s17 =	sand.u32 $0x180, s17  }
.Ltmp5:
0x42: {  	s20 =	sand.u32 $0x600, s20;
	s17 =	sor.u32 s17, s19;
	(pc) =	sbr.rel .LBB1_7-.Ltmp5, $4  }
0x43: {  	s16 =	sadd.s32 s4, s16;
	s19 =	sand.u32 $0x300, s30;
	s17 =	sor.u32 s20, s17  }
0x44: {  	s15 =	sshll.u32 s31, $0x12;
	s16 =	sadd.s32 s19, s16;
	s17 =	sshrl.u32 s17, $0x3  }
0x45: {  	s15 =	sor.u32 $0x80, s15;
	s16 =	sadd.s32 s17, s16  }
0x46: {  	[hbm4b:s16+s15] =	stream.strided.scatter [tilespmem:s18], [sflag:$0x2], $0x4000, s10, s15, $0x20;
	[tilespmem:$0x10100] =	vst v63  }
.LBB1_8:
0x47: {  	_ =	sfence.sel $0x180000  }
0x48: {  	s2 =	simm.s32 $0x1;
	[bflag:$0x0] =	sbarrier.arrive $0xFFFF  }
0x49: {  	s31 =	simm.s32 $0x2;
	[sflag:s2] =	ssyncpa.u1 $0x1  }
0x4a: {  	[sflag:s31] =	ssyncpa.u1 $0x1  }
0x4b: {  	p0 =	sne.s32 s0, $0x0;
	_ =	strace $0x90000050  }
0x4c: {  	s0 =	sadd.s32 @!p0 $0x100000, s1;
	[bflag:$0x2] =	sbarrier.arrive $0xFFFF  }
0x4d: {  	[sflag:s0] =	ssyncadd.tile.s32 @!p0 $0x1;
	_ =	shalt  }
.Lfunc_end1:
_tile_overlayer_lowered:
.L_overlay_start_2:
0x4e: {  	(tag) =	ssettag $0x2  }
0x4f: {  	s0 =	rddreg [dreg:$0x0];
	s2 =	stileid.u32  }
0x50: {  	s1 =	rddreg [dreg:$0x1];
	p0 =	sne.s32 s2, $0x0  }
0x51: {  	s3 =	rddreg [dreg:$0x2];
	[bflag:$0x3] =	sbarrier.arrive $0xFFFF;
	s2 =	simm.s32 @!p0 $0x1C01  }
0x52: {  	[timem:s3], [sflag:s2] =	dma.local @!p0 [hbm:s0], s1  }
0x53: {  	s0 =	simm.s32 @!p0 $0x1  }
0x54: {  	_ =	swait.ge @!p0 [sflag:s0], s1  }
0x55: {  	s1 =	ssub.s32 @!p0 $0x0, s1;
	[sflag:s0] =	ssyncset.done @!p0 $0x0  }
0x56: {  	[sflag:s0] =	ssyncadd.s32 @!p0 s1  }
0x57: {  	[bflag:$0x3] =	sbarrier.arrive $0xFFFF  }
0x58: {  	_ =	shalt  }

// kernel: sparse-core-data-format-call.2.cloned.1.call-start
scs
called_computation.2_lowered:
.L_overlay_start_0:
0x0: {  	s1 =	sld [smem:$0x3FD9]  }
0x1: {  	s2 =	sld [smem:$0x3FFE];
	_ =	sdelay $0x1  }
0x2: {  	s3 =	srdreg.scid  }
0x3: {  	s0 =	sand.u32 $0x1, s3  }
0x4: {  	s17 =	sshll.u32 s0, $0xA;
	s1 =	sadd.s32 s2, s1  }
0x5: {  	s1 =	sadd.s32 s1, s17  }
0x6: {  	[smem:$0x3FC1] =	sst s1  }
0x7: {  	_ = 	snop  }
0x8: {  	(tm) =	ssettm $0x1  }
0x9: {  	s18 =	sld [smem:$0x3FFB];
	_ =	sdelay $0x3  }
0xa: {  	_ =	strace s18  }
0xb: {  	s1 =	sld [smem:$0x3FFC];
	_ =	sdelay $0x3  }
0xc: {  	_ =	strace s1  }
0xd: {  	s1 =	sld [smem:$0x3FFD];
	_ =	sdelay $0x3  }
0xe: {  	_ =	strace s1  }
0xf: {  	_ =	strace $0x8FFFFFFF  }
0x10: {  	s19 =	sld [smem:$0x3FDB];
	_ =	sdelay $0x1  }
0x11: {  	s20 =	simm.s32 $_scs_section_size  }
0x12: {  	s4 =	simm.s32 $_size__tile_overlayer_lowered;
	s5 =	simm.s32 $_tile_overlayer_lowered  }
0x13: {  	s23 =	simm.s32 $0x1BFF;
	s22 =	sshll.u32 s5, $0x1;
	s1 =	sadd.s32 s20, s19  }
0x14: {  	s6 =	simm.s32 $0x0;
	s21 =	sshll.u32 s4, $0x1;
	s4 =	sadd.s32 s22, s1  }
0x15: {  	[timem:s6], [sflag:s23] =	dma.local [hbm:s4], s21  }
0x16: {  	_ =	swait.ge [sflag:s23], s21  }
0x17: {  	s2 =	ssub.s32 $0x0, s21;
	[sflag:s23] =	ssyncset.done $0x0  }
0x18: {  	[sflag:s23] =	ssyncadd.s32 s2;
	_ =	sdelay $0x1  }
0x19: {  	s24 =	simm.s32 $0x1B8B  }
0x1a: {  	_ =	swait.ge [sflag:s24], $0x1  }
0x1b: {  	[sflag:s24] =	ssyncset.done $0x0  }
0x1c: {  	s26 =	simm.s32 $0x1B8E;
	s25 =	sld [smem:$0x3FFE];
	[sflag:s24] =	ssyncadd.s32 $0xFFFFFFFF  }
0x1d: {  	s27 =	simm.s32 $execute0_lowered;
	[smem:$0x3FD2] =	sst s26  }
0x1e: {  	s4 =	sshll.u32 s27, $0x1;
	_ =	strace $0x80000046;
	[dreg:$0x1] =	wrdreg $0xFFFFFFFF  }
0x1f: {  	s28 =	simm.s32 $_size_execute0_lowered;
	s1 =	sadd.s32 s1, s4;
	[dreg:$0x0] =	wrdreg $0x0  }
0x20: {  	s4 =	sshll.u32 s28, $0x1;
	[dreg:$0x2] =	wrdreg s1  }
0x21: {  	[dreg:$0x3] =	wrdreg s4  }
0x22: {  	[dreg:$0x4] =	wrdreg $0xC0  }
0x23: {  	_ =	task [dreg:s6], $0x5FFFF  }
0x24: {  	[dreg:$0x1] =	wrdreg $0xFFFFFFFF  }
0x25: {  	[dreg:$0x0] =	wrdreg $0x60  }
0x26: {  	[dreg:$0x2] =	wrdreg s25  }
0x27: {  	[dreg:$0x3] =	wrdreg $0x9  }
0x28: {  	_ =	task.clear_ibuf [dreg:s6], $0x4FFFF;
	_ =	strace $0x90000046  }
0x29: {  	s29 =	simm.s32 $0x9;
	_ =	strace $0x80000048  }
0x2a: {  	_ =	swait.ge [sflag:s29], $0x1  }
0x2b: {  	[sflag:s29] =	ssyncadd.s32 $0xFFFFFFFF  }
0x2c: {  	_ =	strace $0x90000048  }
0x2d: {  	_ =	sfence  }
0x2e: {  	s30 =	sld [smem:$0x0];
	_ =	sdelay $0x2  }
0x2f: {  	s31 =	sshll.u32 s3, $0xD;
	s3 =	sshrl.u32 s3, $0x2  }
0x30: {  	s2 =	sand.u32 $0x4000, s31;
	s1 =	sadd.s32 s3, s30  }
0x31: {  	s0 =	sor.u32 s2, s0;
	s1 =	sshll.u32 s1, $0x11  }
0x32: {  	s0 =	sor.u32 s1, s0  }
0x33: {  	s0 =	sadd.s32 $0x8F2B, s0  }
0x34: {  	[sflag:s0] =	ssyncadd.remote.s32 $0x1  }
0x35: {  	_ =	sfence.sel $0xFFFF  }
0x36: {  	[dreg:$0x0] =	wrdreg $0xFFFFFFFF;
	(pc) =	sbr.abs _section_cstart, $3  }
0x37: {  	[dreg:$0x1] =	wrdreg $0xFFFFFFFF  }
0x38: {  	_ =	task.clear_ibuf [dreg:s6], $0x2FFFF;
	_ =	strace $0x9FFFFFFF  }
0x39: {  	(tm) =	ssettm $0x7FFFFFFF  }
tec
execute0_lowered:
.L_overlay_start_1:
0x0: {  	(tag) =	ssettag $0x1  }
0x1: {  	s0 =	srdreg.scid;
	s7 =	rddreg [dreg:$0x0]  }
0x2: {  	s31 =	simm.s32 $0x2;
	s18 =	simm.s32 $0x0;
	s9 =	simm.s32 $0x80  }
0x3: {  	s16 =	simm.s32 $0x0;
	s15 =	simm.s32 $0x0;
	s17 =	simm.s32 $0x0  }
0x4: {  	s10 =	simm.s32 $0x0;
	s12 =	simm.s32 $0x0;
	s0 =	sshll.u32 s0, $0x1  }
0x5: {  	s13 =	stileid.u32;
	s14 =	simm.s32 $0x0;
	s1 =	sand.u32 $0x2, s0  }
0x6: {  	s3 =	sadd.s32 $0x2000, s7;
	s4 =	sadd.s32 $0x202000, s7;
	s2 =	ssub.s32 $0x4, s1  }
.Ltmp0:
0x7: {  	s7 =	sadd.s32 $0x282000, s7;
	s5 =	sshrl.u32 s2, $0x1;
	(pc) =	sbr.rel .LBB1_1-.Ltmp0, $4  }
0x8: {  	s0 =	rddreg [dreg:$0x1];
	s6 =	sshrl.u32 s2, $0x2;
	s8 =	sand.u32 $0x1, s5  }
0x9: {  	_ =	strace $0x80000047;
	s5 =	simm.s32 $0x1;
	s6 =	sadd.s32 s6, s8  }
0xa: {  	s11 =	smov.u32 s1;
	[sflag:s5] =	ssyncpa.u1 $0x0;
	s6 =	sshll.u32 s6, $0x4  }
0xb: {  	s2 =	stileid.u32;
	[sflag:s31] =	ssyncpa.u1 $0x0;
	s8 =	sor.u32 $0x1, s6  }
.LBB1_7:
0xc: {  	s19 =	sadd.s32 $0x80, s10  }
0xd: {  	s15 =	sadd.s32 $0x4, s11;
	s20 =	smov.u32 s11;
	p1 =	sgt.s32 s19, $0x7FF  }
0xe: {  	s20 =	smov.u32 @p1 s15  }
0xf: {  	s21 =	smov.u32 s12;
	s15 =	sadd.s32 $0x40, s12;
	p2 =	sgt.s32 s20, $0x3  }
0x10: {  	s21 =	smov.u32 @p2 s15  }
0x11: {  	s22 =	smov.u32 s13;
	s15 =	sadd.s32 $0x10, s13;
	p3 =	sgt.s32 s21, $0x3F  }
0x12: {  	s22 =	smov.u32 @p3 s15  }
0x13: {  	p0 =	slt.u32 s14, $0x2;
	s19 =	simm.s32 @p1 $0x0;
	p1 =	sgt.s32 s22, $0xF  }
0x14: {  	s23 =	simm.s32 @!p0 $0x2;
	s22 =	smov.u32 @p1 s2;
	p1 =	sne.s32 s14, s8  }
.Ltmp1:
0x15: {  	s18 =	smov.u32 s10;
	_ =	swait.ge @!p0 [sflag:s23], $0x4000;
	(pc) =	sbr.rel @!p1 .LBB1_8-.Ltmp1, $4  }
0x16: {  	s16 =	smov.u32 s11;
	s17 =	smov.u32 s13;
	[sflag:s23] =	ssyncset.done @!p0 $0x0  }
0x17: {  	s10 =	smov.u32 s19;
	s20 =	smov.u32 @p2 s1;
	[sflag:s23] =	ssyncadd.s32 @!p0 $0xFFFFC000  }
0x18: {  	s11 =	smov.u32 s20;
	s21 =	simm.s32 @p3 $0x0;
	s15 =	smov.u32 s12  }
0x19: {  	s12 =	smov.u32 s21;
	s14 =	sadd.s32 $0x1, s14;
	s13 =	smov.u32 s22  }
.LBB1_1:
0x1a: {  	p0 =	sge.u32 s14, s6  }
0x1b: {  	s31 =	sadd.s32 $0xFFFFFFFF, s14;
	s19 =	sxor.u32 @!p0 $0xFFFFFFFF, s14;
	s20 =	sshll.u32 @!p0 s11, $0x7  }
0x1c: {  	s21 =	sand.u32 @!p0 $0x78, s10;
	s22 =	sshll.u32 @!p0 s10, $0x2;
	s23 =	sshrl.u32 @!p0 s10, $0x1  }
0x1d: {  	s20 =	sand.u32 @!p0 $0x180, s20;
	s19 =	sshll.u32 @!p0 s19, $0xE;
	s22 =	sand.u32 @!p0 $0x600, s22  }
0x1e: {  	s23 =	sand.u32 @!p0 $0x300, s23;
	s20 =	sor.u32 @!p0 s20, s21;
	s21 =	sshll.u32 @!p0 s13, $0x10  }
0x1f: {  	s20 =	sor.u32 @!p0 s22, s20;
	s22 =	sshll.u32 @!p0 s12, $0xA;
	s21 =	sadd.s32 @!p0 s3, s21  }
0x20: {  	s19 =	sand.u32 @!p0 $0x4000, s19;
	s21 =	sadd.s32 @!p0 s22, s21;
	s22 =	sand.u32 @!p0 $0x7, s10  }
0x21: {  	s20 =	sshrl.u32 @!p0 s20, $0x3;
	s21 =	sadd.s32 @!p0 s23, s21;
	s22 =	sshll.u32 @!p0 s22, $0x12  }
0x22: {  	s20 =	sadd.s32 @!p0 s20, s21;
	s21 =	sor.u32 @!p0 $0x100, s22;
	s22 =	simm.s32 @!p0 $0x2000  }
0x23: {  	[tilespmem:s19], [sflag:$0x1] =	stream.strided.gather @!p0 [hbm4b:s20+s21], $0x4000, s22, s21, $0x38;
	[tilespmem:$0x10200] =	vst v63  }
0x24: {  	p0 =	sge.u32 s31, s6  }
.Ltmp2:
0x25: {  	_ = 	snop;
	(pc) =	sbr.rel @p0 .LBB1_7-.Ltmp2, $1  }
0x26: {  	_ =	sdelay $0x3  }
0x27: {  	s20 =	sand.u32 $0x1, s14  }
0x28: {  	s19 =	smul.u32 $0x10400, s20  }
0x29: {  	_ =	swait.ge [sflag:s5], $0x4000  }
0x2a: {  	s22 =	simm.s32 $0x0;
	[sflag:s5] =	ssyncset.done $0x0;
	s19 =	sshrl.u32 s19, $0x2  }
0x2b: {  	s21 =	sshll.u32 s20, $0xE;
	[sflag:s5] =	ssyncadd.s32 $0xFFFFC000;
	s20 =	sor.u32 $0x8000, s19  }
.LBB1_3:
0x2c: {  	s23 =	sshll.u32 s22, $0x8  }
0x2d: {  	s23 =	sand.u32 $0x3FFFFF00, s23  }
0x2e: {  	s23 =	sadd.s32 s23, s21  }
0x2f: {  	v0 =	vmov s23;
	_ =	sdelay $0x1  }
0x30: {  	p0 =	por $0x1, $0x1;
	s23 =	simm.s32 $0x0  }
.LBB1_4:
0x31: {  	s24 =	sshll.u32 s23, $0x7  }
0x32: {  	s24 =	sand.u32 $0x3FFFFF80, s24  }
0x33: {  	s31 =	smul.u32 $0x8200, s23;
	v1 =	vld.idx.msk [tilespmem:v0+s24+$0x0 ss:$0x1], $0xffff  }
0x34: {  	v2 =	vld.idx.msk [tilespmem:v0+s24+$0x10 ss:$0x1], $0xffff  }
0x35: {  	s23 =	sshra.s32 s31, $0x2;
	v3 =	vld.idx.msk [tilespmem:v0+s24+$0x20 ss:$0x1], $0xffff  }
0x36: {  	v4 =	vld.idx.msk [tilespmem:v0+s24+$0x30 ss:$0x1], $0xffff;
	s23 =	sadd.s32 s23, s20  }
0x37: {  	v5 =	vld.idx.msk [tilespmem:v0+s24+$0x40 ss:$0x1], $0xffff;
	s23 =	sadd.s32 s22, s23  }
0x38: {  	[tilespmem:s23+$0x0 ss:$0x41] =	vst.msk $0xffff, v1;
	v1 =	vld.idx.msk [tilespmem:v0+s24+$0x50 ss:$0x1], $0xffff  }
0x39: {  	[tilespmem:s23+$0x410 ss:$0x41] =	vst.msk $0xffff, v2;
	v2 =	vld.idx.msk [tilespmem:v0+s24+$0x60 ss:$0x1], $0xffff  }
0x3a: {  	p1 =	por p0, p0;
	[tilespmem:s23+$0x820 ss:$0x41] =	vst.msk $0xffff, v3;
	v3 =	vld.idx.msk [tilespmem:v0+s24+$0x70 ss:$0x1], $0xffff  }
.Ltmp3:
0x3b: {  	[tilespmem:s23+$0xC30 ss:$0x41] =	vst.msk $0xffff, v4;
	(pc) =	sbr.rel @p1 .LBB1_4-.Ltmp3, $4  }
0x3c: {  	[tilespmem:s23+$0x1040 ss:$0x41] =	vst.msk $0xffff, v5  }
0x3d: {  	[tilespmem:s23+$0x1450 ss:$0x41] =	vst.msk $0xffff, v1  }
0x3e: {  	[tilespmem:s23+$0x1860 ss:$0x41] =	vst.msk $0xffff, v2  }
0x3f: {  	p0 =	por $0x0, $0x0;
	[tilespmem:s23+$0x1C70 ss:$0x41] =	vst.msk $0xffff, v3;
	s23 =	simm.s32 $0x1  }
0x40: {  	s22 =	sadd.s32 $0x1, s22  }
0x41: {  	p0 =	sne.s32 s22, $0x40  }
.Ltmp4:
0x42: {  	_ = 	snop;
	(pc) =	sbr.rel @p0 .LBB1_3-.Ltmp4, $1  }
0x43: {  	_ =	sdelay $0x3  }
0x44: {  	s18 =	sshll.u32 s18, $0x7;
	s21 =	sshll.u32 s15, $0x3;
	s16 =	sshll.u32 s16, $0x13  }
0x45: {  	s17 =	sshll.u32 s17, $0xF;
	s28 =	sshrl.u32 s15, $0x3;
	s30 =	sand.u32 $0x7, s15  }
0x46: {  	s22 =	sand.u32 $0x3FC00, s18;
	s21 =	sand.u32 $0x3FC00, s21;
	s18 =	sand.u32 $0x380, s18  }
0x47: {  	s29 =	sadd.s32 s17, s16;
	s15 =	sshll.u32 s30, $0x12;
	s21 =	sadd.s32 s21, s22  }
0x48: {  	s17 =	sadd.s32 s17, s7;
	s22 =	sadd.s32 s4, s29;
	s18 =	sor.u32 s18, s21  }
0x49: {  	s16 =	sadd.s32 s16, s17;
	s21 =	sand.u32 $0xF, s28;
	s18 =	sshrl.u32 s18, $0x3  }
.Ltmp5:
0x4a: {  	s22 =	sadd.s32 s21, s22;
	s18 =	sand.u32 $0x7FF0, s18;
	(pc) =	sbr.rel .LBB1_7-.Ltmp5, $4  }
0x4b: {  	s15 =	sor.u32 $0x40, s15;
	s16 =	sadd.s32 s21, s16;
	s22 =	sadd.s32 s18, s22  }
0x4c: {  	[hbm4b:s22+s15] =	stream.strided.scatter [tilespmem:s20], [sflag:$0x2], $0x2000, s9, s15, $0x18;
	[tilespmem:$0x10200] =	vst v63  }
0x4d: {  	s31 =	sadd.s32 $0xA080, s19;
	s16 =	sadd.s32 s18, s16  }
0x4e: {  	[hbm4b:s16+s15] =	stream.strided.scatter [tilespmem:s31], [sflag:$0x2], $0x2000, s9, s15, $0x18;
	[tilespmem:$0x10200] =	vst v63  }
.LBB1_8:
0x4f: {  	_ =	sfence.sel $0x180000  }
0x50: {  	s1 =	simm.s32 $0x1;
	[bflag:$0x0] =	sbarrier.arrive $0xFFFF  }
0x51: {  	s31 =	simm.s32 $0x2;
	[sflag:s1] =	ssyncpa.u1 $0x1  }
0x52: {  	[sflag:s31] =	ssyncpa.u1 $0x1  }
0x53: {  	p0 =	sne.s32 s2, $0x0;
	_ =	strace $0x90000047  }
0x54: {  	s0 =	sadd.s32 @!p0 $0x100000, s0;
	[bflag:$0x2] =	sbarrier.arrive $0xFFFF  }
0x55: {  	[sflag:s0] =	ssyncadd.tile.s32 @!p0 $0x1;
	_ =	shalt  }
.Lfunc_end1:
_tile_overlayer_lowered:
.L_overlay_start_2:
0x56: {  	(tag) =	ssettag $0x2  }
0x57: {  	s0 =	rddreg [dreg:$0x0];
	s2 =	stileid.u32  }
0x58: {  	s1 =	rddreg [dreg:$0x1];
	p0 =	sne.s32 s2, $0x0  }
0x59: {  	s3 =	rddreg [dreg:$0x2];
	[bflag:$0x3] =	sbarrier.arrive $0xFFFF;
	s2 =	simm.s32 @!p0 $0x1C01  }
0x5a: {  	[timem:s3], [sflag:s2] =	dma.local @!p0 [hbm:s0], s1  }
0x5b: {  	s0 =	simm.s32 @!p0 $0x1  }
0x5c: {  	_ =	swait.ge @!p0 [sflag:s0], s1  }
0x5d: {  	s1 =	ssub.s32 @!p0 $0x0, s1;
	[sflag:s0] =	ssyncset.done @!p0 $0x0  }
0x5e: {  	[sflag:s0] =	ssyncadd.s32 @!p0 s1  }
0x5f: {  	[bflag:$0x3] =	sbarrier.arrive $0xFFFF  }
0x60: {  	_ =	shalt  }

// kernel: sparse-core-data-format-call.3.cloned.1.call-start
scs
called_computation.3_lowered:
.L_overlay_start_0:
0x0: {  	s2 =	sld [smem:$0x3FD9]  }
0x1: {  	s3 =	sld [smem:$0x3FFE];
	_ =	sdelay $0x1  }
0x2: {  	s1 =	srdreg.scid  }
0x3: {  	s0 =	sand.u32 $0x1, s1  }
0x4: {  	s18 =	sshll.u32 s0, $0xA;
	s2 =	sadd.s32 s3, s2  }
0x5: {  	s2 =	sadd.s32 s2, s18  }
0x6: {  	[smem:$0x3FC1] =	sst s2  }
0x7: {  	_ = 	snop  }
0x8: {  	(tm) =	ssettm $0x1  }
0x9: {  	s19 =	sld [smem:$0x3FFB];
	_ =	sdelay $0x3  }
0xa: {  	_ =	strace s19  }
0xb: {  	s2 =	sld [smem:$0x3FFC];
	_ =	sdelay $0x3  }
0xc: {  	_ =	strace s2  }
0xd: {  	s2 =	sld [smem:$0x3FFD];
	_ =	sdelay $0x3  }
0xe: {  	_ =	strace s2  }
0xf: {  	_ =	strace $0x8FFFFFFF  }
0x10: {  	s20 =	sld [smem:$0x3FDB];
	_ =	sdelay $0x1  }
0x11: {  	s21 =	simm.s32 $_scs_section_size  }
0x12: {  	s4 =	simm.s32 $_size__tile_overlayer_lowered;
	s5 =	simm.s32 $_tile_overlayer_lowered  }
0x13: {  	s6 =	simm.s32 $0x1BFF;
	s22 =	sshll.u32 s5, $0x1;
	s3 =	sadd.s32 s21, s20  }
0x14: {  	s23 =	simm.s32 $0x0;
	s4 =	sshll.u32 s4, $0x1;
	s5 =	sadd.s32 s22, s3  }
0x15: {  	[timem:s23], [sflag:s6] =	dma.local [hbm:s5], s4  }
0x16: {  	_ =	swait.ge [sflag:s6], s4  }
0x17: {  	s4 =	ssub.s32 $0x0, s4;
	[sflag:s6] =	ssyncset.done $0x0  }
0x18: {  	[sflag:s6] =	ssyncadd.s32 s4;
	_ =	sdelay $0x1  }
0x19: {  	s24 =	simm.s32 $0x1B8B  }
0x1a: {  	_ =	swait.ge [sflag:s24], $0x1  }
0x1b: {  	[sflag:s24] =	ssyncset.done $0x0  }
0x1c: {  	[sflag:s24] =	ssyncadd.s32 $0xFFFFFFFF  }
0x1d: {  	s4 =	sld [smem:$0x0]  }
0x1e: {  	s5 =	sand.u32 $0xFFFFFFFE, s1  }
0x1f: {  	p0 =	sne.s32 s1, s5  }
0x20: {  	s5 =	sshll.u32 @p0 s5, $0xE  }
0x21: {  	s5 =	sadd.s32 @p0 $0x11B8D, s5;
	s6 =	sshll.u32 @p0 s4, $0x11  }
0x22: {  	s5 =	sor.u32 @p0 s6, s5  }
0x23: {  	[sflag:s5] =	ssyncadd.remote.s32 @p0 $0x1;
	_ =	sdelay $0x1  }
0x24: {  	s5 =	simm.s32 @p0 $0x1B8D  }
0x25: {  	_ =	swait.eq @p0 [sflag:s5], $0x1  }
0x26: {  	[sflag:s5] =	ssyncadd.s32 @p0 $0xFFFFFFFF  }
0x27: {  	s6 =	sshll.u32 @!p0 s1, $0xE  }
0x28: {  	s6 =	sor.u32 @!p0 $0x4000, s6;
	s5 =	simm.s32 @!p0 $0x1B8D  }
0x29: {  	s4 =	sshll.u32 @!p0 s4, $0x11;
	s6 =	sadd.s32 @!p0 $0x11B8D, s6;
	_ =	swait.eq @!p0 [sflag:s5], $0x1  }
0x2a: {  	s4 =	sor.u32 @!p0 s4, s6;
	[sflag:s5] =	ssyncadd.s32 @!p0 $0xFFFFFFFF  }
0x2b: {  	s26 =	simm.s32 $0x1B8E;
	s25 =	sld [smem:$0x3FFE];
	[sflag:s4] =	ssyncadd.remote.s32 @!p0 $0x1  }
0x2c: {  	s27 =	simm.s32 $execute0_lowered;
	[smem:$0x3FD2] =	sst s26  }
0x2d: {  	s5 =	sshll.u32 s27, $0x1;
	_ =	strace $0x80000049;
	[dreg:$0x1] =	wrdreg $0xFFFFFFFF  }
0x2e: {  	s28 =	simm.s32 $_size_execute0_lowered;
	s3 =	sadd.s32 s3, s5;
	[dreg:$0x0] =	wrdreg $0x0  }
0x2f: {  	s5 =	sshll.u32 s28, $0x1;
	[dreg:$0x2] =	wrdreg s3  }
0x30: {  	[dreg:$0x3] =	wrdreg s5  }
0x31: {  	[dreg:$0x4] =	wrdreg $0xC0  }
0x32: {  	_ =	task [dreg:s23], $0x5FFFF  }
0x33: {  	[dreg:$0x1] =	wrdreg $0xFFFFFFFF  }
0x34: {  	[dreg:$0x0] =	wrdreg $0x60  }
0x35: {  	[dreg:$0x2] =	wrdreg s25  }
0x36: {  	[dreg:$0x3] =	wrdreg $0xA  }
0x37: {  	_ =	task.clear_ibuf [dreg:s23], $0x4FFFF;
	_ =	strace $0x90000049  }
0x38: {  	s29 =	simm.s32 $0xA;
	_ =	strace $0x8000004B  }
0x39: {  	_ =	swait.ge [sflag:s29], $0x1  }
0x3a: {  	[sflag:s29] =	ssyncadd.s32 $0xFFFFFFFF  }
0x3b: {  	_ =	strace $0x9000004B  }
0x3c: {  	_ =	sfence  }
0x3d: {  	s30 =	sld [smem:$0x0];
	_ =	sdelay $0x2  }
0x3e: {  	s31 =	sshll.u32 s1, $0xD;
	s1 =	sshrl.u32 s1, $0x2  }
0x3f: {  	s4 =	sand.u32 $0x4000, s31;
	s1 =	sadd.s32 s1, s30  }
0x40: {  	s0 =	sor.u32 s4, s0;
	s1 =	sshll.u32 s1, $0x11  }
0x41: {  	s0 =	sor.u32 s1, s0  }
0x42: {  	s0 =	sadd.s32 $0x8F2B, s0  }
0x43: {  	[sflag:s0] =	ssyncadd.remote.s32 $0x1  }
0x44: {  	_ =	sfence.sel $0xFFFF  }
0x45: {  	[dreg:$0x0] =	wrdreg $0xFFFFFFFF;
	(pc) =	sbr.abs _section_cstart, $3  }
0x46: {  	[dreg:$0x1] =	wrdreg $0xFFFFFFFF  }
0x47: {  	_ =	task.clear_ibuf [dreg:s23], $0x2FFFF;
	_ =	strace $0x9FFFFFFF  }
0x48: {  	(tm) =	ssettm $0x7FFFFFFF  }
0x49: {  	_ =	shalt  }
tec
execute0_lowered:
.L_overlay_start_1:
0x0: {  	(tag) =	ssettag $0x1  }
0x1: {  	s0 =	srdreg.scid;
	s7 =	rddreg [dreg:$0x0]  }
0x2: {  	s31 =	simm.s32 $0x2;
	s18 =	simm.s32 $0x0;
	s9 =	simm.s32 $0x80  }
0x3: {  	s16 =	simm.s32 $0x0;
	s15 =	simm.s32 $0x0;
	s17 =	simm.s32 $0x0  }
0x4: {  	s10 =	simm.s32 $0x0;
	s12 =	simm.s32 $0x0;
	s0 =	sshll.u32 s0, $0x1  }
0x5: {  	s13 =	stileid.u32;
	s14 =	simm.s32 $0x0;
	s1 =	sand.u32 $0x2, s0  }
0x6: {  	s3 =	sadd.s32 $0x102000, s7;
	s4 =	sadd.s32 $0x402000, s7;
	s2 =	ssub.s32 $0x4, s1  }
.Ltmp0:
0x7: {  	s7 =	sadd.s32 $0x482000, s7;
	s5 =	sshrl.u32 s2, $0x1;
	(pc) =	sbr.rel .LBB1_1-.Ltmp0, $4  }
0x8: {  	s0 =	rddreg [dreg:$0x1];
	s6 =	sshrl.u32 s2, $0x2;
	s8 =	sand.u32 $0x1, s5  }
0x9: {  	_ =	strace $0x8000004A;
	s5 =	simm.s32 $0x1;
	s6 =	sadd.s32 s6, s8  }
0xa: {  	s11 =	smov.u32 s1;
	[sflag:s5] =	ssyncpa.u1 $0x0;
	s6 =	sshll.u32 s6, $0x4  }
0xb: {  	s2 =	stileid.u32;
	[sflag:s31] =	ssyncpa.u1 $0x0;
	s8 =	sor.u32 $0x1, s6  }
.LBB1_7:
0xc: {  	s19 =	sadd.s32 $0x80, s10  }
0xd: {  	s15 =	sadd.s32 $0x4, s11;
	s20 =	smov.u32 s11;
	p1 =	sgt.s32 s19, $0x7FF  }
0xe: {  	s20 =	smov.u32 @p1 s15  }
0xf: {  	s21 =	smov.u32 s12;
	s15 =	sadd.s32 $0x40, s12;
	p2 =	sgt.s32 s20, $0x3  }
0x10: {  	s21 =	smov.u32 @p2 s15  }
0x11: {  	s22 =	smov.u32 s13;
	s15 =	sadd.s32 $0x10, s13;
	p3 =	sgt.s32 s21, $0x3F  }
0x12: {  	s22 =	smov.u32 @p3 s15  }
0x13: {  	p0 =	slt.u32 s14, $0x2;
	s19 =	simm.s32 @p1 $0x0;
	p1 =	sgt.s32 s22, $0xF  }
0x14: {  	s23 =	simm.s32 @!p0 $0x2;
	s22 =	smov.u32 @p1 s2;
	p1 =	sne.s32 s14, s8  }
.Ltmp1:
0x15: {  	s18 =	smov.u32 s10;
	_ =	swait.ge @!p0 [sflag:s23], $0x4000;
	(pc) =	sbr.rel @!p1 .LBB1_8-.Ltmp1, $4  }
0x16: {  	s16 =	smov.u32 s11;
	s17 =	smov.u32 s13;
	[sflag:s23] =	ssyncset.done @!p0 $0x0  }
0x17: {  	s10 =	smov.u32 s19;
	s20 =	smov.u32 @p2 s1;
	[sflag:s23] =	ssyncadd.s32 @!p0 $0xFFFFC000  }
0x18: {  	s11 =	smov.u32 s20;
	s21 =	simm.s32 @p3 $0x0;
	s15 =	smov.u32 s12  }
0x19: {  	s12 =	smov.u32 s21;
	s14 =	sadd.s32 $0x1, s14;
	s13 =	smov.u32 s22  }
.LBB1_1:
0x1a: {  	p0 =	sge.u32 s14, s6  }
0x1b: {  	s31 =	sadd.s32 $0xFFFFFFFF, s14;
	s19 =	sxor.u32 @!p0 $0xFFFFFFFF, s14;
	s20 =	sshll.u32 @!p0 s11, $0x7  }
0x1c: {  	s21 =	sand.u32 @!p0 $0x78, s10;
	s22 =	sshll.u32 @!p0 s10, $0x2;
	s23 =	sshrl.u32 @!p0 s10, $0x1  }
0x1d: {  	s20 =	sand.u32 @!p0 $0x180, s20;
	s19 =	sshll.u32 @!p0 s19, $0xE;
	s22 =	sand.u32 @!p0 $0x600, s22  }
0x1e: {  	s23 =	sand.u32 @!p0 $0x300, s23;
	s20 =	sor.u32 @!p0 s20, s21;
	s21 =	sshll.u32 @!p0 s13, $0x10  }
0x1f: {  	s20 =	sor.u32 @!p0 s22, s20;
	s22 =	sshll.u32 @!p0 s12, $0xA;
	s21 =	sadd.s32 @!p0 s3, s21  }
0x20: {  	s19 =	sand.u32 @!p0 $0x4000, s19;
	s21 =	sadd.s32 @!p0 s22, s21;
	s22 =	sand.u32 @!p0 $0x7, s10  }
0x21: {  	s20 =	sshrl.u32 @!p0 s20, $0x3;
	s21 =	sadd.s32 @!p0 s23, s21;
	s22 =	sshll.u32 @!p0 s22, $0x12  }
0x22: {  	s20 =	sadd.s32 @!p0 s20, s21;
	s21 =	sor.u32 @!p0 $0x100, s22;
	s22 =	simm.s32 @!p0 $0x2000  }
0x23: {  	[tilespmem:s19], [sflag:$0x1] =	stream.strided.gather @!p0 [hbm4b:s20+s21], $0x4000, s22, s21, $0x38;
	[tilespmem:$0x10200] =	vst v63  }
0x24: {  	p0 =	sge.u32 s31, s6  }
.Ltmp2:
0x25: {  	_ = 	snop;
	(pc) =	sbr.rel @p0 .LBB1_7-.Ltmp2, $1  }
0x26: {  	_ =	sdelay $0x3  }
0x27: {  	s20 =	sand.u32 $0x1, s14  }
0x28: {  	s19 =	smul.u32 $0x10400, s20  }
0x29: {  	_ =	swait.ge [sflag:s5], $0x4000  }
0x2a: {  	s22 =	simm.s32 $0x0;
	[sflag:s5] =	ssyncset.done $0x0;
	s19 =	sshrl.u32 s19, $0x2  }
0x2b: {  	s21 =	sshll.u32 s20, $0xE;
	[sflag:s5] =	ssyncadd.s32 $0xFFFFC000;
	s20 =	sor.u32 $0x8000, s19  }
.LBB1_3:
0x2c: {  	s23 =	sshll.u32 s22, $0x8  }
0x2d: {  	s23 =	sand.u32 $0x3FFFFF00, s23  }
0x2e: {  	s23 =	sadd.s32 s23, s21  }
0x2f: {  	v0 =	vmov s23;
	_ =	sdelay $0x1  }
0x30: {  	p0 =	por $0x1, $0x1;
	s23 =	simm.s32 $0x0  }
.LBB1_4:
0x31: {  	s24 =	sshll.u32 s23, $0x7  }
0x32: {  	s24 =	sand.u32 $0x3FFFFF80, s24  }
0x33: {  	s31 =	smul.u32 $0x8200, s23;
	v1 =	vld.idx.msk [tilespmem:v0+s24+$0x0 ss:$0x1], $0xffff  }
0x34: {  	v2 =	vld.idx.msk [tilespmem:v0+s24+$0x10 ss:$0x1], $0xffff  }
0x35: {  	s23 =	sshra.s32 s31, $0x2;
	v3 =	vld.idx.msk [tilespmem:v0+s24+$0x20 ss:$0x1], $0xffff  }
0x36: {  	v4 =	vld.idx.msk [tilespmem:v0+s24+$0x30 ss:$0x1], $0xffff;
	s23 =	sadd.s32 s23, s20  }
0x37: {  	v5 =	vld.idx.msk [tilespmem:v0+s24+$0x40 ss:$0x1], $0xffff;
	s23 =	sadd.s32 s22, s23  }
0x38: {  	[tilespmem:s23+$0x0 ss:$0x41] =	vst.msk $0xffff, v1;
	v1 =	vld.idx.msk [tilespmem:v0+s24+$0x50 ss:$0x1], $0xffff  }
0x39: {  	[tilespmem:s23+$0x410 ss:$0x41] =	vst.msk $0xffff, v2;
	v2 =	vld.idx.msk [tilespmem:v0+s24+$0x60 ss:$0x1], $0xffff  }
0x3a: {  	p1 =	por p0, p0;
	[tilespmem:s23+$0x820 ss:$0x41] =	vst.msk $0xffff, v3;
	v3 =	vld.idx.msk [tilespmem:v0+s24+$0x70 ss:$0x1], $0xffff  }
.Ltmp3:
0x3b: {  	[tilespmem:s23+$0xC30 ss:$0x41] =	vst.msk $0xffff, v4;
	(pc) =	sbr.rel @p1 .LBB1_4-.Ltmp3, $4  }
0x3c: {  	[tilespmem:s23+$0x1040 ss:$0x41] =	vst.msk $0xffff, v5  }
0x3d: {  	[tilespmem:s23+$0x1450 ss:$0x41] =	vst.msk $0xffff, v1  }
0x3e: {  	[tilespmem:s23+$0x1860 ss:$0x41] =	vst.msk $0xffff, v2  }
0x3f: {  	p0 =	por $0x0, $0x0;
	[tilespmem:s23+$0x1C70 ss:$0x41] =	vst.msk $0xffff, v3;
	s23 =	simm.s32 $0x1  }
0x40: {  	s22 =	sadd.s32 $0x1, s22  }
0x41: {  	p0 =	sne.s32 s22, $0x40  }
.Ltmp4:
0x42: {  	_ = 	snop;
	(pc) =	sbr.rel @p0 .LBB1_3-.Ltmp4, $1  }
0x43: {  	_ =	sdelay $0x3  }
0x44: {  	s18 =	sshll.u32 s18, $0x7;
	s21 =	sshll.u32 s15, $0x3;
	s16 =	sshll.u32 s16, $0x13  }
0x45: {  	s17 =	sshll.u32 s17, $0xF;
	s28 =	sshrl.u32 s15, $0x3;
	s30 =	sand.u32 $0x7, s15  }
0x46: {  	s22 =	sand.u32 $0x3FC00, s18;
	s21 =	sand.u32 $0x3FC00, s21;
	s18 =	sand.u32 $0x380, s18  }
0x47: {  	s29 =	sadd.s32 s17, s16;
	s15 =	sshll.u32 s30, $0x12;
	s21 =	sadd.s32 s21, s22  }
0x48: {  	s17 =	sadd.s32 s17, s7;
	s22 =	sadd.s32 s4, s29;
	s18 =	sor.u32 s18, s21  }
0x49: {  	s16 =	sadd.s32 s16, s17;
	s21 =	sand.u32 $0xF, s28;
	s18 =	sshrl.u32 s18, $0x3  }
.Ltmp5:
0x4a: {  	s22 =	sadd.s32 s21, s22;
	s18 =	sand.u32 $0x7FF0, s18;
	(pc) =	sbr.rel .LBB1_7-.Ltmp5, $4  }
0x4b: {  	s15 =	sor.u32 $0x40, s15;
	s16 =	sadd.s32 s21, s16;
	s22 =	sadd.s32 s18, s22  }
0x4c: {  	[hbm4b:s22+s15] =	stream.strided.scatter [tilespmem:s20], [sflag:$0x2], $0x2000, s9, s15, $0x18;
	[tilespmem:$0x10200] =	vst v63  }
0x4d: {  	s31 =	sadd.s32 $0xA080, s19;
	s16 =	sadd.s32 s18, s16  }
0x4e: {  	[hbm4b:s16+s15] =	stream.strided.scatter [tilespmem:s31], [sflag:$0x2], $0x2000, s9, s15, $0x18;
	[tilespmem:$0x10200] =	vst v63  }
.LBB1_8:
0x4f: {  	_ =	sfence.sel $0x180000  }
0x50: {  	s1 =	simm.s32 $0x1;
	[bflag:$0x0] =	sbarrier.arrive $0xFFFF  }
0x51: {  	s31 =	simm.s32 $0x2;
	[sflag:s1] =	ssyncpa.u1 $0x1  }
0x52: {  	[sflag:s31] =	ssyncpa.u1 $0x1  }
0x53: {  	p0 =	sne.s32 s2, $0x0;
	_ =	strace $0x9000004A  }
0x54: {  	s0 =	sadd.s32 @!p0 $0x100000, s0;
	[bflag:$0x2] =	sbarrier.arrive $0xFFFF  }
0x55: {  	[sflag:s0] =	ssyncadd.tile.s32 @!p0 $0x1;
	_ =	shalt  }
.Lfunc_end1:
_tile_overlayer_lowered:
.L_overlay_start_2:
0x56: {  	(tag) =	ssettag $0x2  }
0x57: {  	s0 =	rddreg [dreg:$0x0];
	s2 =	stileid.u32  }
0x58: {  	s1 =	rddreg [dreg:$0x1];
	p0 =	sne.s32 s2, $0x0  }
0x59: {  	s3 =	rddreg [dreg:$0x2];
	[bflag:$0x3] =	sbarrier.arrive $0xFFFF;
	s2 =	simm.s32 @!p0 $0x1C01  }
0x5a: {  	[timem:s3], [sflag:s2] =	dma.local @!p0 [hbm:s0], s1  }
0x5b: {  	s0 =	simm.s32 @!p0 $0x1  }
0x5c: {  	_ =	swait.ge @!p0 [sflag:s0], s1  }
0x5d: {  	s1 =	ssub.s32 @!p0 $0x0, s1;
	[sflag:s0] =	ssyncset.done @!p0 $0x0  }
0x5e: {  	[sflag:s0] =	ssyncadd.s32 @!p0 s1  }
0x5f: {  	[bflag:$0x3] =	sbarrier.arrive $0xFFFF  }
0x60: {  	_ =	shalt  }

// kernel: sparse-core-data-format-call.4.cloned.1.call-start
scs
called_computation.4_lowered:
.L_overlay_start_0:
0x0: {  	s2 =	sld [smem:$0x3FD9]  }
0x1: {  	s3 =	sld [smem:$0x3FFE];
	_ =	sdelay $0x1  }
0x2: {  	s1 =	srdreg.scid  }
0x3: {  	s0 =	sand.u32 $0x1, s1  }
0x4: {  	s18 =	sshll.u32 s0, $0xA;
	s2 =	sadd.s32 s3, s2  }
0x5: {  	s2 =	sadd.s32 s2, s18  }
0x6: {  	[smem:$0x3FC1] =	sst s2  }
0x7: {  	_ = 	snop  }
0x8: {  	s19 =	sld [smem:$0x3FD0];
	(tm) =	ssettm $0x1  }
0x9: {  	s20 =	sld [smem:$0x3FFB];
	_ =	sdelay $0x3  }
0xa: {  	_ =	strace s20  }
0xb: {  	s2 =	sld [smem:$0x3FFC];
	_ =	sdelay $0x3  }
0xc: {  	_ =	strace s2  }
0xd: {  	s2 =	sld [smem:$0x3FFD];
	_ =	sdelay $0x3  }
0xe: {  	_ =	strace s2  }
0xf: {  	_ =	strace $0x8FFFFFFF  }
0x10: {  	s21 =	sld [smem:$0x3FDB];
	_ =	sdelay $0x1  }
0x11: {  	s4 =	simm.s32 $_scs_section_size  }
0x12: {  	s5 =	simm.s32 $_size__tile_overlayer_lowered;
	s6 =	simm.s32 $_tile_overlayer_lowered  }
0x13: {  	s7 =	simm.s32 $0x1BFF;
	s22 =	sshll.u32 s6, $0x1;
	s4 =	sadd.s32 s4, s21  }
0x14: {  	s23 =	simm.s32 $0x0;
	s5 =	sshll.u32 s5, $0x1;
	s6 =	sadd.s32 s22, s4  }
0x15: {  	[timem:s23], [sflag:s7] =	dma.local [hbm:s6], s5  }
0x16: {  	_ =	swait.ge [sflag:s7], s5  }
0x17: {  	s5 =	ssub.s32 $0x0, s5;
	[sflag:s7] =	ssyncset.done $0x0  }
0x18: {  	[sflag:s7] =	ssyncadd.s32 s5;
	_ =	sdelay $0x1  }
0x19: {  	s24 =	simm.s32 $0x1B8B  }
0x1a: {  	_ =	swait.ge [sflag:s24], $0x1  }
0x1b: {  	[sflag:s24] =	ssyncset.done $0x0  }
0x1c: {  	[sflag:s24] =	ssyncadd.s32 $0xFFFFFFFF  }
0x1d: {  	s5 =	sld [smem:$0x0]  }
0x1e: {  	s6 =	sand.u32 $0xFFFFFFFE, s1  }
0x1f: {  	p0 =	sne.s32 s1, s6  }
0x20: {  	s6 =	sshll.u32 @p0 s6, $0xE  }
0x21: {  	s6 =	sadd.s32 @p0 $0x11B8D, s6;
	s7 =	sshll.u32 @p0 s5, $0x11  }
0x22: {  	s6 =	sor.u32 @p0 s7, s6  }
0x23: {  	[sflag:s6] =	ssyncadd.remote.s32 @p0 $0x1;
	_ =	sdelay $0x1  }
0x24: {  	s6 =	simm.s32 @p0 $0x1B8D  }
0x25: {  	_ =	swait.eq @p0 [sflag:s6], $0x1  }
0x26: {  	[sflag:s6] =	ssyncadd.s32 @p0 $0xFFFFFFFF  }
0x27: {  	s7 =	sshll.u32 @!p0 s1, $0xE  }
0x28: {  	s7 =	sor.u32 @!p0 $0x4000, s7;
	s6 =	simm.s32 @!p0 $0x1B8D  }
0x29: {  	s5 =	sshll.u32 @!p0 s5, $0x11;
	s7 =	sadd.s32 @!p0 $0x11B8D, s7;
	_ =	swait.eq @!p0 [sflag:s6], $0x1  }
0x2a: {  	s5 =	sor.u32 @!p0 s5, s7;
	[sflag:s6] =	ssyncadd.s32 @!p0 $0xFFFFFFFF  }
0x2b: {  	s26 =	simm.s32 $0x1B8E;
	s25 =	sld [smem:$0x3FFE];
	[sflag:s5] =	ssyncadd.remote.s32 @!p0 $0x1  }
0x2c: {  	s27 =	simm.s32 $execute0_lowered;
	[smem:$0x3FD2] =	sst s26  }
0x2d: {  	s6 =	sshll.u32 s27, $0x1;
	_ =	strace $0x8000004C;
	[dreg:$0x1] =	wrdreg $0xFFFFFFFF  }
0x2e: {  	s28 =	simm.s32 $_size_execute0_lowered;
	s4 =	sadd.s32 s4, s6;
	[dreg:$0x0] =	wrdreg $0x0  }
0x2f: {  	s6 =	sshll.u32 s28, $0x1;
	[dreg:$0x2] =	wrdreg s4  }
0x30: {  	[dreg:$0x3] =	wrdreg s6  }
0x31: {  	[dreg:$0x4] =	wrdreg $0xC0  }
0x32: {  	_ =	task [dreg:s23], $0x5FFFF  }
0x33: {  	[dreg:$0x1] =	wrdreg $0xFFFFFFFF  }
0x34: {  	[dreg:$0x0] =	wrdreg $0x60  }
0x35: {  	[dreg:$0x2] =	wrdreg s19  }
0x36: {  	[dreg:$0x3] =	wrdreg s25  }
0x37: {  	[dreg:$0x4] =	wrdreg $0xB  }
0x38: {  	_ =	task.clear_ibuf [dreg:s23], $0x5FFFF;
	_ =	strace $0x9000004C  }
0x39: {  	s29 =	simm.s32 $0xB;
	_ =	strace $0x8000004E  }
0x3a: {  	_ =	swait.ge [sflag:s29], $0x1  }
0x3b: {  	[sflag:s29] =	ssyncadd.s32 $0xFFFFFFFF  }
0x3c: {  	_ =	strace $0x9000004E  }
0x3d: {  	_ =	sfence  }
0x3e: {  	s30 =	sld [smem:$0x0];
	_ =	sdelay $0x2  }
0x3f: {  	s31 =	sshll.u32 s1, $0xD;
	s1 =	sshrl.u32 s1, $0x2  }
0x40: {  	s4 =	sand.u32 $0x4000, s31;
	s1 =	sadd.s32 s1, s30  }
0x41: {  	s0 =	sor.u32 s4, s0;
	s1 =	sshll.u32 s1, $0x11  }
0x42: {  	s0 =	sor.u32 s1, s0  }
0x43: {  	s0 =	sadd.s32 $0x8F2B, s0  }
0x44: {  	[sflag:s0] =	ssyncadd.remote.s32 $0x1  }
0x45: {  	_ =	sfence.sel $0xFFFF  }
0x46: {  	[dreg:$0x0] =	wrdreg $0xFFFFFFFF;
	(pc) =	sbr.abs _section_cstart, $3  }
0x47: {  	[dreg:$0x1] =	wrdreg $0xFFFFFFFF  }
0x48: {  	_ =	task.clear_ibuf [dreg:s23], $0x2FFFF;
	_ =	strace $0x9FFFFFFF  }
0x49: {  	(tm) =	ssettm $0x7FFFFFFF  }
tec
execute0_lowered:
.L_overlay_start_1:
0x0: {  	(tag) =	ssettag $0x1  }
0x1: {  	s0 =	srdreg.scid;
	s1 =	rddreg [dreg:$0x0]  }
0x2: {  	s7 =	rddreg [dreg:$0x1];
	s31 =	simm.s32 $0x2;
	s18 =	simm.s32 $0x0  }
0x3: {  	s9 =	simm.s32 $0x80;
	s16 =	simm.s32 $0x0;
	s15 =	simm.s32 $0x0  }
0x4: {  	s17 =	simm.s32 $0x0;
	s10 =	simm.s32 $0x0;
	s0 =	sshll.u32 s0, $0x1  }
0x5: {  	s12 =	simm.s32 $0x0;
	s13 =	stileid.u32;
	s3 =	sand.u32 $0x2, s0  }
0x6: {  	s14 =	simm.s32 $0x0;
	s4 =	sadd.s32 $0x602000, s7;
	s2 =	ssub.s32 $0x4, s3  }
.Ltmp0:
0x7: {  	s7 =	sadd.s32 $0x682000, s7;
	s5 =	sshrl.u32 s2, $0x1;
	(pc) =	sbr.rel .LBB1_1-.Ltmp0, $4  }
0x8: {  	s0 =	rddreg [dreg:$0x2];
	s6 =	sshrl.u32 s2, $0x2;
	s8 =	sand.u32 $0x1, s5  }
0x9: {  	_ =	strace $0x8000004D;
	s5 =	simm.s32 $0x1;
	s6 =	sadd.s32 s6, s8  }
0xa: {  	s11 =	smov.u32 s3;
	[sflag:s5] =	ssyncpa.u1 $0x0;
	s6 =	sshll.u32 s6, $0x4  }
0xb: {  	s2 =	stileid.u32;
	[sflag:s31] =	ssyncpa.u1 $0x0;
	s8 =	sor.u32 $0x1, s6  }
.LBB1_7:
0xc: {  	s19 =	sadd.s32 $0x80, s10  }
0xd: {  	s15 =	sadd.s32 $0x4, s11;
	s20 =	smov.u32 s11;
	p1 =	sgt.s32 s19, $0x7FF  }
0xe: {  	s20 =	smov.u32 @p1 s15  }
0xf: {  	s21 =	smov.u32 s12;
	s15 =	sadd.s32 $0x40, s12;
	p2 =	sgt.s32 s20, $0x3  }
0x10: {  	s21 =	smov.u32 @p2 s15  }
0x11: {  	s22 =	smov.u32 s13;
	s15 =	sadd.s32 $0x10, s13;
	p3 =	sgt.s32 s21, $0x3F  }
0x12: {  	s22 =	smov.u32 @p3 s15  }
0x13: {  	p0 =	slt.u32 s14, $0x2;
	s19 =	simm.s32 @p1 $0x0;
	p1 =	sgt.s32 s22, $0xF  }
0x14: {  	s23 =	simm.s32 @!p0 $0x2;
	s22 =	smov.u32 @p1 s2;
	p1 =	sne.s32 s14, s8  }
.Ltmp1:
0x15: {  	s18 =	smov.u32 s10;
	_ =	swait.ge @!p0 [sflag:s23], $0x4000;
	(pc) =	sbr.rel @!p1 .LBB1_8-.Ltmp1, $4  }
0x16: {  	s16 =	smov.u32 s11;
	s17 =	smov.u32 s13;
	[sflag:s23] =	ssyncset.done @!p0 $0x0  }
0x17: {  	s10 =	smov.u32 s19;
	s20 =	smov.u32 @p2 s3;
	[sflag:s23] =	ssyncadd.s32 @!p0 $0xFFFFC000  }
0x18: {  	s11 =	smov.u32 s20;
	s21 =	simm.s32 @p3 $0x0;
	s15 =	smov.u32 s12  }
0x19: {  	s12 =	smov.u32 s21;
	s14 =	sadd.s32 $0x1, s14;
	s13 =	smov.u32 s22  }
.LBB1_1:
0x1a: {  	p0 =	sge.u32 s14, s6  }
0x1b: {  	s31 =	sadd.s32 $0xFFFFFFFF, s14;
	s19 =	sxor.u32 @!p0 $0xFFFFFFFF, s14;
	s20 =	sshll.u32 @!p0 s11, $0x7  }
0x1c: {  	s21 =	sand.u32 @!p0 $0x78, s10;
	s22 =	sshll.u32 @!p0 s10, $0x2;
	s23 =	sshrl.u32 @!p0 s10, $0x1  }
0x1d: {  	s20 =	sand.u32 @!p0 $0x180, s20;
	s19 =	sshll.u32 @!p0 s19, $0xE;
	s22 =	sand.u32 @!p0 $0x600, s22  }
0x1e: {  	s23 =	sand.u32 @!p0 $0x300, s23;
	s20 =	sor.u32 @!p0 s20, s21;
	s21 =	sshll.u32 @!p0 s13, $0x10  }
0x1f: {  	s20 =	sor.u32 @!p0 s22, s20;
	s22 =	sshll.u32 @!p0 s12, $0xA;
	s21 =	sadd.s32 @!p0 s1, s21  }
0x20: {  	s19 =	sand.u32 @!p0 $0x4000, s19;
	s21 =	sadd.s32 @!p0 s22, s21;
	s22 =	sand.u32 @!p0 $0x7, s10  }
0x21: {  	s20 =	sshrl.u32 @!p0 s20, $0x3;
	s21 =	sadd.s32 @!p0 s23, s21;
	s22 =	sshll.u32 @!p0 s22, $0x12  }
0x22: {  	s20 =	sadd.s32 @!p0 s20, s21;
	s21 =	sor.u32 @!p0 $0x100, s22;
	s22 =	simm.s32 @!p0 $0x2000  }
0x23: {  	[tilespmem:s19], [sflag:$0x1] =	stream.strided.gather @!p0 [hbm4b:s20+s21], $0x4000, s22, s21, $0x38;
	[tilespmem:$0x10200] =	vst v63  }
0x24: {  	p0 =	sge.u32 s31, s6  }
.Ltmp2:
0x25: {  	_ = 	snop;
	(pc) =	sbr.rel @p0 .LBB1_7-.Ltmp2, $1  }
0x26: {  	_ =	sdelay $0x3  }
0x27: {  	s20 =	sand.u32 $0x1, s14  }
0x28: {  	s19 =	smul.u32 $0x10400, s20  }
0x29: {  	_ =	swait.ge [sflag:s5], $0x4000  }
0x2a: {  	s22 =	simm.s32 $0x0;
	[sflag:s5] =	ssyncset.done $0x0;
	s19 =	sshrl.u32 s19, $0x2  }
0x2b: {  	s21 =	sshll.u32 s20, $0xE;
	[sflag:s5] =	ssyncadd.s32 $0xFFFFC000;
	s20 =	sor.u32 $0x8000, s19  }
.LBB1_3:
0x2c: {  	s23 =	sshll.u32 s22, $0x8  }
0x2d: {  	s23 =	sand.u32 $0x3FFFFF00, s23  }
0x2e: {  	s23 =	sadd.s32 s23, s21  }
0x2f: {  	v0 =	vmov s23;
	_ =	sdelay $0x1  }
0x30: {  	p0 =	por $0x1, $0x1;
	s23 =	simm.s32 $0x0  }
.LBB1_4:
0x31: {  	s24 =	sshll.u32 s23, $0x7  }
0x32: {  	s24 =	sand.u32 $0x3FFFFF80, s24  }
0x33: {  	s31 =	smul.u32 $0x8200, s23;
	v1 =	vld.idx.msk [tilespmem:v0+s24+$0x0 ss:$0x1], $0xffff  }
0x34: {  	v2 =	vld.idx.msk [tilespmem:v0+s24+$0x10 ss:$0x1], $0xffff  }
0x35: {  	s23 =	sshra.s32 s31, $0x2;
	v3 =	vld.idx.msk [tilespmem:v0+s24+$0x20 ss:$0x1], $0xffff  }
0x36: {  	v4 =	vld.idx.msk [tilespmem:v0+s24+$0x30 ss:$0x1], $0xffff;
	s23 =	sadd.s32 s23, s20  }
0x37: {  	v5 =	vld.idx.msk [tilespmem:v0+s24+$0x40 ss:$0x1], $0xffff;
	s23 =	sadd.s32 s22, s23  }
0x38: {  	[tilespmem:s23+$0x0 ss:$0x41] =	vst.msk $0xffff, v1;
	v1 =	vld.idx.msk [tilespmem:v0+s24+$0x50 ss:$0x1], $0xffff  }
0x39: {  	[tilespmem:s23+$0x410 ss:$0x41] =	vst.msk $0xffff, v2;
	v2 =	vld.idx.msk [tilespmem:v0+s24+$0x60 ss:$0x1], $0xffff  }
0x3a: {  	p1 =	por p0, p0;
	[tilespmem:s23+$0x820 ss:$0x41] =	vst.msk $0xffff, v3;
	v3 =	vld.idx.msk [tilespmem:v0+s24+$0x70 ss:$0x1], $0xffff  }
.Ltmp3:
0x3b: {  	[tilespmem:s23+$0xC30 ss:$0x41] =	vst.msk $0xffff, v4;
	(pc) =	sbr.rel @p1 .LBB1_4-.Ltmp3, $4  }
0x3c: {  	[tilespmem:s23+$0x1040 ss:$0x41] =	vst.msk $0xffff, v5  }
0x3d: {  	[tilespmem:s23+$0x1450 ss:$0x41] =	vst.msk $0xffff, v1  }
0x3e: {  	[tilespmem:s23+$0x1860 ss:$0x41] =	vst.msk $0xffff, v2  }
0x3f: {  	p0 =	por $0x0, $0x0;
	[tilespmem:s23+$0x1C70 ss:$0x41] =	vst.msk $0xffff, v3;
	s23 =	simm.s32 $0x1  }
0x40: {  	s22 =	sadd.s32 $0x1, s22  }
0x41: {  	p0 =	sne.s32 s22, $0x40  }
.Ltmp4:
0x42: {  	_ = 	snop;
	(pc) =	sbr.rel @p0 .LBB1_3-.Ltmp4, $1  }
0x43: {  	_ =	sdelay $0x3  }
0x44: {  	s18 =	sshll.u32 s18, $0x7;
	s21 =	sshll.u32 s15, $0x3;
	s16 =	sshll.u32 s16, $0x13  }
0x45: {  	s17 =	sshll.u32 s17, $0xF;
	s28 =	sshrl.u32 s15, $0x3;
	s30 =	sand.u32 $0x7, s15  }
0x46: {  	s22 =	sand.u32 $0x3FC00, s18;
	s21 =	sand.u32 $0x3FC00, s21;
	s18 =	sand.u32 $0x380, s18  }
0x47: {  	s29 =	sadd.s32 s17, s16;
	s15 =	sshll.u32 s30, $0x12;
	s21 =	sadd.s32 s21, s22  }
0x48: {  	s17 =	sadd.s32 s17, s7;
	s22 =	sadd.s32 s4, s29;
	s18 =	sor.u32 s18, s21  }
0x49: {  	s16 =	sadd.s32 s16, s17;
	s21 =	sand.u32 $0xF, s28;
	s18 =	sshrl.u32 s18, $0x3  }
.Ltmp5:
0x4a: {  	s22 =	sadd.s32 s21, s22;
	s18 =	sand.u32 $0x7FF0, s18;
	(pc) =	sbr.rel .LBB1_7-.Ltmp5, $4  }
0x4b: {  	s15 =	sor.u32 $0x40, s15;
	s16 =	sadd.s32 s21, s16;
	s22 =	sadd.s32 s18, s22  }
0x4c: {  	[hbm4b:s22+s15] =	stream.strided.scatter [tilespmem:s20], [sflag:$0x2], $0x2000, s9, s15, $0x18;
	[tilespmem:$0x10200] =	vst v63  }
0x4d: {  	s31 =	sadd.s32 $0xA080, s19;
	s16 =	sadd.s32 s18, s16  }
0x4e: {  	[hbm4b:s16+s15] =	stream.strided.scatter [tilespmem:s31], [sflag:$0x2], $0x2000, s9, s15, $0x18;
	[tilespmem:$0x10200] =	vst v63  }
.LBB1_8:
0x4f: {  	_ =	sfence.sel $0x180000  }
0x50: {  	s1 =	simm.s32 $0x1;
	[bflag:$0x0] =	sbarrier.arrive $0xFFFF  }
0x51: {  	s31 =	simm.s32 $0x2;
	[sflag:s1] =	ssyncpa.u1 $0x1  }
0x52: {  	[sflag:s31] =	ssyncpa.u1 $0x1  }
0x53: {  	p0 =	sne.s32 s2, $0x0;
	_ =	strace $0x9000004D  }
0x54: {  	s0 =	sadd.s32 @!p0 $0x100000, s0;
	[bflag:$0x2] =	sbarrier.arrive $0xFFFF  }
0x55: {  	[sflag:s0] =	ssyncadd.tile.s32 @!p0 $0x1;
	_ =	shalt  }
.Lfunc_end1:
_tile_overlayer_lowered:
.L_overlay_start_2:
0x56: {  	(tag) =	ssettag $0x2  }
0x57: {  	s0 =	rddreg [dreg:$0x0];
	s2 =	stileid.u32  }
0x58: {  	s1 =	rddreg [dreg:$0x1];
	p0 =	sne.s32 s2, $0x0  }
0x59: {  	s3 =	rddreg [dreg:$0x2];
	[bflag:$0x3] =	sbarrier.arrive $0xFFFF;
	s2 =	simm.s32 @!p0 $0x1C01  }
0x5a: {  	[timem:s3], [sflag:s2] =	dma.local @!p0 [hbm:s0], s1  }
0x5b: {  	s0 =	simm.s32 @!p0 $0x1  }
0x5c: {  	_ =	swait.ge @!p0 [sflag:s0], s1  }
0x5d: {  	s1 =	ssub.s32 @!p0 $0x0, s1;
	[sflag:s0] =	ssyncset.done @!p0 $0x0  }
0x5e: {  	[sflag:s0] =	ssyncadd.s32 @!p0 s1  }
0x5f: {  	[bflag:$0x3] =	sbarrier.arrive $0xFFFF  }
0x60: {  	_ =	shalt  }

// kernel: sparse-core-data-format-call.cloned.1.call-start
scs
called_computation_lowered:
.L_overlay_start_0:
0x0: {  	s2 =	sld [smem:$0x3FD9]  }
0x1: {  	s3 =	sld [smem:$0x3FFE];
	_ =	sdelay $0x1  }
0x2: {  	s1 =	srdreg.scid  }
0x3: {  	s0 =	sand.u32 $0x1, s1  }
0x4: {  	s18 =	sshll.u32 s0, $0xA;
	s2 =	sadd.s32 s3, s2  }
0x5: {  	s2 =	sadd.s32 s2, s18  }
0x6: {  	[smem:$0x3FC1] =	sst s2  }
0x7: {  	_ = 	snop  }
0x8: {  	s2 =	sld [smem:$0x3FD0];
	(tm) =	ssettm $0x1  }
0x9: {  	s19 =	sld [smem:$0x3FFB];
	_ =	sdelay $0x3  }
0xa: {  	_ =	strace s19  }
0xb: {  	s3 =	sld [smem:$0x3FFC];
	_ =	sdelay $0x3  }
0xc: {  	_ =	strace s3  }
0xd: {  	s3 =	sld [smem:$0x3FFD];
	_ =	sdelay $0x3  }
0xe: {  	_ =	strace s3  }
0xf: {  	_ =	strace $0x8FFFFFFF  }
0x10: {  	s20 =	sld [smem:$0x3FDB];
	_ =	sdelay $0x1  }
0x11: {  	s4 =	simm.s32 $_scs_section_size  }
0x12: {  	s5 =	simm.s32 $_size__tile_overlayer_lowered;
	s6 =	simm.s32 $_tile_overlayer_lowered  }
0x13: {  	s23 =	simm.s32 $0x1BFF;
	s22 =	sshll.u32 s6, $0x1;
	s3 =	sadd.s32 s4, s20  }
0x14: {  	s7 =	simm.s32 $0x0;
	s21 =	sshll.u32 s5, $0x1;
	s5 =	sadd.s32 s22, s3  }
0x15: {  	[timem:s7], [sflag:s23] =	dma.local [hbm:s5], s21  }
0x16: {  	_ =	swait.ge [sflag:s23], s21  }
0x17: {  	s4 =	ssub.s32 $0x0, s21;
	[sflag:s23] =	ssyncset.done $0x0  }
0x18: {  	[sflag:s23] =	ssyncadd.s32 s4;
	_ =	sdelay $0x1  }
0x19: {  	s24 =	simm.s32 $0x1B8B  }
0x1a: {  	_ =	swait.ge [sflag:s24], $0x1  }
0x1b: {  	[sflag:s24] =	ssyncset.done $0x0  }
0x1c: {  	s26 =	simm.s32 $0x1B8E;
	s25 =	sld [smem:$0x3FFE];
	[sflag:s24] =	ssyncadd.s32 $0xFFFFFFFF  }
0x1d: {  	s27 =	simm.s32 $execute0_lowered;
	[smem:$0x3FD2] =	sst s26  }
0x1e: {  	s5 =	sshll.u32 s27, $0x1;
	_ =	strace $0x80000052;
	[dreg:$0x1] =	wrdreg $0xFFFFFFFF  }
0x1f: {  	s28 =	simm.s32 $_size_execute0_lowered;
	s3 =	sadd.s32 s3, s5;
	[dreg:$0x0] =	wrdreg $0x0  }
0x20: {  	s5 =	sshll.u32 s28, $0x1;
	[dreg:$0x2] =	wrdreg s3  }
0x21: {  	[dreg:$0x3] =	wrdreg s5  }
0x22: {  	[dreg:$0x4] =	wrdreg $0xC0  }
0x23: {  	_ =	task [dreg:s7], $0x5FFFF  }
0x24: {  	[dreg:$0x1] =	wrdreg $0xFFFFFFFF  }
0x25: {  	[dreg:$0x0] =	wrdreg $0x60  }
0x26: {  	[dreg:$0x2] =	wrdreg s25  }
0x27: {  	[dreg:$0x3] =	wrdreg s2  }
0x28: {  	[dreg:$0x4] =	wrdreg $0x9  }
0x29: {  	_ =	task.clear_ibuf [dreg:s7], $0x5FFFF;
	_ =	strace $0x90000052  }
0x2a: {  	s29 =	simm.s32 $0x9;
	_ =	strace $0x80000054  }
0x2b: {  	_ =	swait.ge [sflag:s29], $0x1  }
0x2c: {  	[sflag:s29] =	ssyncadd.s32 $0xFFFFFFFF  }
0x2d: {  	_ =	strace $0x90000054  }
0x2e: {  	_ =	sfence  }
0x2f: {  	s30 =	sld [smem:$0x0];
	_ =	sdelay $0x2  }
0x30: {  	s31 =	sshll.u32 s1, $0xD;
	s1 =	sshrl.u32 s1, $0x2  }
0x31: {  	s3 =	sand.u32 $0x4000, s31;
	s1 =	sadd.s32 s1, s30  }
0x32: {  	s0 =	sor.u32 s3, s0;
	s1 =	sshll.u32 s1, $0x11  }
0x33: {  	s0 =	sor.u32 s1, s0  }
0x34: {  	s0 =	sadd.s32 $0x8F2B, s0  }
0x35: {  	[sflag:s0] =	ssyncadd.remote.s32 $0x1  }
0x36: {  	_ =	sfence.sel $0xFFFF  }
0x37: {  	[dreg:$0x0] =	wrdreg $0xFFFFFFFF;
	(pc) =	sbr.abs _section_cstart, $3  }
0x38: {  	[dreg:$0x1] =	wrdreg $0xFFFFFFFF  }
0x39: {  	_ =	task.clear_ibuf [dreg:s7], $0x2FFFF;
	_ =	strace $0x9FFFFFFF  }
0x3a: {  	(tm) =	ssettm $0x7FFFFFFF  }
0x3b: {  	_ =	shalt  }
tec
execute0_lowered:
.L_overlay_start_1:
0x0: {  	(tag) =	ssettag $0x1  }
0x1: {  	s1 =	rddreg [dreg:$0x0]  }
0x2: {  	s2 =	rddreg [dreg:$0x1]  }
0x3: {  	s0 =	rddreg [dreg:$0x2];
	_ =	strace $0x80000053;
	s4 =	srdreg.scid  }
0x4: {  	s6 =	simm.s32 $0x2;
	s12 =	simm.s32 $0x0;
	p0 =	por $0x0, $0x0  }
0x5: {  	s13 =	simm.s32 $0x0;
	s15 =	simm.s32 $0x0;
	s14 =	simm.s32 $0x0  }
.Ltmp0:
0x6: {  	s8 =	simm.s32 $0x0;
	s9 =	simm.s32 $0x0;
	(pc) =	sbr.rel .LBB1_1-.Ltmp0, $4  }
0x7: {  	s10 =	simm.s32 $0x0;
	s3 =	sadd.s32 $0x202000, s1;
	s5 =	sshll.u32 s4, $0x4  }
0x8: {  	s1 =	stileid.u32;
	s4 =	simm.s32 $0x1;
	s5 =	sand.u32 $0x10, s5  }
0x9: {  	s7 =	simm.s32 $0x0;
	[sflag:s4] =	ssyncpa.u1 $0x0;
	s5 =	sor.u32 s1, s5  }
0xa: {  	[sflag:s6] =	ssyncpa.u1 $0x0;
	s6 =	simm.s32 $0x4000;
	s11 =	smov.u32 s5  }
.LBB1_7:
0xb: {  	s16 =	sadd.s32 $0x200, s8  }
0xc: {  	s12 =	sadd.s32 $0x4, s9;
	s17 =	smov.u32 s9;
	p2 =	sgt.s32 s16, $0x7FF  }
0xd: {  	s17 =	smov.u32 @p2 s12  }
0xe: {  	s18 =	smov.u32 s10;
	s12 =	sadd.s32 $0x8, s10;
	p3 =	sgt.s32 s17, $0x3  }
0xf: {  	s18 =	smov.u32 @p3 s12  }
0x10: {  	s19 =	smov.u32 s11;
	s12 =	sadd.s32 $0x20, s11;
	p4 =	sgt.s32 s18, $0x7  }
0x11: {  	p1 =	slt.u32 s7, $0x2;
	s19 =	smov.u32 @p4 s12  }
0x12: {  	s7 =	sadd.s32 $0x1, s7;
	s16 =	simm.s32 @p2 $0x0;
	p2 =	sgt.s32 s19, $0x7F  }
0x13: {  	s20 =	simm.s32 @!p1 $0x2;
	s19 =	smov.u32 @p2 s5;
	p2 =	sne.s32 s7, $0x12  }
.Ltmp1:
0x14: {  	s13 =	smov.u32 s9;
	_ =	swait.ge @!p1 [sflag:s20], $0x4000;
	(pc) =	sbr.rel @!p2 .LBB1_8-.Ltmp1, $4  }
0x15: {  	s15 =	smov.u32 s10;
	s14 =	smov.u32 s11;
	[sflag:s20] =	ssyncset.done @!p1 $0x0  }
0x16: {  	p0 =	por !p0, !p0;
	s17 =	simm.s32 @p3 $0x0;
	[sflag:s20] =	ssyncadd.s32 @!p1 $0xFFFFC000  }
0x17: {  	s9 =	smov.u32 s17;
	s18 =	simm.s32 @p4 $0x0;
	s12 =	smov.u32 s8  }
0x18: {  	s8 =	smov.u32 s16;
	s10 =	smov.u32 s18;
	s11 =	smov.u32 s19  }
.LBB1_1:
0x19: {  	p1 =	sgt.u32 s7, $0xF  }
0x1a: {  	s16 =	sxor.u32 @!p1 $0xFFFFFFFF, s7;
	s17 =	sshll.u32 @!p1 s9, $0x7  }
0x1b: {  	s18 =	sand.u32 @!p1 $0x78, s8;
	s19 =	sshll.u32 @!p1 s8, $0x2;
	s20 =	sshrl.u32 @!p1 s8, $0x1  }
0x1c: {  	s17 =	sand.u32 @!p1 $0x180, s17;
	s16 =	sshll.u32 @!p1 s16, $0xE;
	s19 =	sand.u32 @!p1 $0x600, s19  }
0x1d: {  	s20 =	sand.u32 @!p1 $0x300, s20;
	s17 =	sor.u32 @!p1 s17, s18;
	s18 =	sshll.u32 @!p1 s11, $0xD  }
0x1e: {  	s17 =	sor.u32 @!p1 s19, s17;
	s19 =	sshll.u32 @!p1 s10, $0xA;
	s18 =	sadd.s32 @!p1 s3, s18  }
0x1f: {  	s16 =	sand.u32 @!p1 $0x4000, s16;
	s18 =	sadd.s32 @!p1 s19, s18;
	s19 =	sand.u32 @!p1 $0x7, s8  }
0x20: {  	s17 =	sshrl.u32 @!p1 s17, $0x3;
	s18 =	sadd.s32 @!p1 s20, s18;
	s19 =	sshll.u32 @!p1 s19, $0x12  }
0x21: {  	s17 =	sadd.s32 @!p1 s17, s18;
	s18 =	sor.u32 @!p1 $0x800, s19;
	s19 =	simm.s32 @!p1 $0x2000  }
0x22: {  	[tilespmem:s16], [sflag:$0x1] =	stream.strided.gather @!p1 [hbm4b:s17+s18], $0x4000, s19, s18, $0x38;
	[tilespmem:$0x10000] =	vst v63  }
0x23: {  	p1 =	seq.s32 s7, $0x0  }
0x24: {  	p2 =	seq.s32 @!p1 s7, $0x11  }
0x25: {  	p1 =	por p1, p2  }
.Ltmp2:
0x26: {  	_ = 	snop;
	(pc) =	sbr.rel @p1 .LBB1_7-.Ltmp2, $1  }
0x27: {  	_ =	sdelay $0x3  }
0x28: {  	s16 =	simm.s32 $0x1  }
0x29: {  	_ =	swait.ge [sflag:s4], $0x4000;
	s31 =	sshll.u32 s7, $0xE;
	s16 =	simm.s32 @!p0 $0x0  }
0x2a: {  	s20 =	simm.s32 $0x0;
	s21 =	simm.s32 $0x0;
	s16 =	sshll.u32 s16, $0x10  }
0x2b: {  	s22 =	simm.s32 $0x0;
	[sflag:s4] =	ssyncset.done $0x0;
	s19 =	sshrl.u32 s16, $0x2  }
0x2c: {  	[sflag:s4] =	ssyncadd.s32 $0xFFFFC000;
	s16 =	sand.u32 $0x4000, s31;
	s17 =	sor.u32 $0x400, s19  }
0x2d: {  	s18 =	sor.u32 $0x8000, s19;
	s16 =	sor.u32 $0x8000, s16;
	s19 =	sadd.s32 $0x8C00, s19  }
.LBB1_3:
0x2e: {  	v0 =	vmov s18;
	v1 =	vld [tilespmem:s17+$0x270]  }
0x2f: {  	v2 =	vld [tilespmem:s17+$0xFFFFFC10]  }
0x30: {  	v3 =	vld [tilespmem:s17+$0xFFFFFC20]  }
0x31: {  	s23 =	sshll.u32 s21, $0x2;
	s24 =	sand.u32 $0x3, s20;
	v4 =	vld [tilespmem:s17+$0xFFFFFC30]  }
0x32: {  	v5 =	vld [tilespmem:s17+$0xFFFFFC40];
	s25 =	sand.u32 $0xFFFFF800, s23;
	s24 =	sshll.u32 s24, $0x9;
	s23 =	simm.s32 $0x0  }
0x33: {  	v6 =	vld [tilespmem:s17+$0xFFFFFC50];
	s24 =	sor.u32 s24, s25;
	[tilespmem:v0+s23+$0xC70 ss:$0x1] =	vst.idx.msk $0xffff, v1  }
0x34: {  	v7 =	vld [tilespmem:s17+$0x220];
	s24 =	sshrl.u32 s24, $0x2;
	[tilespmem:v0+s23+$0x10 ss:$0x1] =	vst.idx.msk $0xffff, v2  }
0x35: {  	v8 =	vld [tilespmem:s17+$0x230];
	s24 =	sadd.s32 s24, s19;
	[tilespmem:v0+s23+$0x20 ss:$0x1] =	vst.idx.msk $0xffff, v3  }
0x36: {  	v1 =	vmov s24;
	[tilespmem:v0+s23+$0x30 ss:$0x1] =	vst.idx.msk $0xffff, v4;
	v4 =	vld [tilespmem:s17+$0xFFFFFE00]  }
0x37: {  	[tilespmem:v0+s23+$0x40 ss:$0x1] =	vst.idx.msk $0xffff, v5;
	v5 =	vld [tilespmem:s17+$0xFFFFFE10]  }
0x38: {  	[tilespmem:v0+s23+$0x50 ss:$0x1] =	vst.idx.msk $0xffff, v6;
	v6 =	vld [tilespmem:s17+$0xFFFFFE20]  }
0x39: {  	v2 =	vld [tilespmem:s17+$0xFFFFFC60];
	[tilespmem:v0+s23+$0xC20 ss:$0x1] =	vst.idx.msk $0xffff, v7  }
0x3a: {  	v3 =	vld [tilespmem:s17+$0xFFFFFC70];
	[tilespmem:v0+s23+$0xC30 ss:$0x1] =	vst.idx.msk $0xffff, v8  }
0x3b: {  	[tilespmem:v1+s23+$0xFFFFF800 ss:$0x1] =	vst.idx.msk $0xffff, v4;
	v4 =	vld [tilespmem:s17+$0xFFFFFE50]  }
0x3c: {  	[tilespmem:v0+s23+$0x410 ss:$0x1] =	vst.idx.msk $0xffff, v5;
	v5 =	vld [tilespmem:s17+$0xFFFFFE60]  }
0x3d: {  	[tilespmem:v0+s23+$0x420 ss:$0x1] =	vst.idx.msk $0xffff, v6;
	v6 =	vld [tilespmem:s17+$0xFFFFFE70]  }
0x3e: {  	[tilespmem:v0+s23+$0x60 ss:$0x1] =	vst.idx.msk $0xffff, v2;
	v2 =	vld [tilespmem:s17+$0xFFFFFE30]  }
0x3f: {  	[tilespmem:v0+s23+$0x70 ss:$0x1] =	vst.idx.msk $0xffff, v3;
	v3 =	vld [tilespmem:s17+$0xFFFFFE40]  }
0x40: {  	[tilespmem:v0+s23+$0x450 ss:$0x1] =	vst.idx.msk $0xffff, v4;
	v4 =	vld [tilespmem:s17+$0x20]  }
0x41: {  	[tilespmem:v0+s23+$0x460 ss:$0x1] =	vst.idx.msk $0xffff, v5;
	v5 =	vld [tilespmem:s17+$0x30]  }
0x42: {  	[tilespmem:v0+s23+$0x470 ss:$0x1] =	vst.idx.msk $0xffff, v6;
	v6 =	vld [tilespmem:s17+$0x40]  }
0x43: {  	[tilespmem:v0+s23+$0x430 ss:$0x1] =	vst.idx.msk $0xffff, v2;
	v2 =	vld [tilespmem:s17+$0x0]  }
0x44: {  	[tilespmem:v0+s23+$0x440 ss:$0x1] =	vst.idx.msk $0xffff, v3;
	v3 =	vld [tilespmem:s17+$0x10]  }
0x45: {  	[tilespmem:v0+s23+$0x820 ss:$0x1] =	vst.idx.msk $0xffff, v4;
	v4 =	vld [tilespmem:s17+$0x70]  }
0x46: {  	[tilespmem:v0+s23+$0x830 ss:$0x1] =	vst.idx.msk $0xffff, v5;
	v5 =	vld [tilespmem:s17+$0x200]  }
0x47: {  	[tilespmem:v0+s23+$0x840 ss:$0x1] =	vst.idx.msk $0xffff, v6;
	v6 =	vld [tilespmem:s17+$0x210]  }
0x48: {  	[tilespmem:v1+s23+$0xFFFFFC00 ss:$0x1] =	vst.idx.msk $0xffff, v2;
	v2 =	vld [tilespmem:s17+$0x50]  }
0x49: {  	[tilespmem:v0+s23+$0x810 ss:$0x1] =	vst.idx.msk $0xffff, v3;
	v3 =	vld [tilespmem:s17+$0x60]  }
0x4a: {  	[tilespmem:v0+s23+$0x870 ss:$0x1] =	vst.idx.msk $0xffff, v4;
	v4 =	vld [tilespmem:s17+$0x240]  }
0x4b: {  	[tilespmem:v1+s23+$0x0 ss:$0x1] =	vst.idx.msk $0xffff, v5;
	v5 =	vld [tilespmem:s17+$0x250]  }
0x4c: {  	[tilespmem:v0+s23+$0xC10 ss:$0x1] =	vst.idx.msk $0xffff, v6;
	v6 =	vld [tilespmem:s17+$0x260]  }
0x4d: {  	s24 =	sadd.s32 $0x80, s17;
	[tilespmem:v0+s23+$0x850 ss:$0x1] =	vst.idx.msk $0xffff, v2;
	v2 =	vld [tilespmem:s17+$0xFFFFFC00]  }
0x4e: {  	s26 =	simm.s32 $0x8000;
	s25 =	simm.s32 $0x4000;
	[tilespmem:v0+s23+$0x860 ss:$0x1] =	vst.idx.msk $0xffff, v3;
	v3 =	vld [tilespmem:s24+$0x270]  }
.LBB1_4:
0x4f: {  	p1 =	sne.s32 s26, $0xC000;
	v7 =	vld [tilespmem:s24+$0xFFFFFC10];
	[tilespmem:v0+s23+$0xC40 ss:$0x1] =	vst.idx.msk $0xffff, v4  }
0x50: {  	v4 =	vld [tilespmem:s24+$0xFFFFFC20];
	[tilespmem:v0+s23+$0xC50 ss:$0x1] =	vst.idx.msk $0xffff, v5  }
0x51: {  	v5 =	vld [tilespmem:s24+$0xFFFFFC30];
	[tilespmem:v0+s23+$0xC60 ss:$0x1] =	vst.idx.msk $0xffff, v6  }
0x52: {  	v6 =	vld [tilespmem:s24+$0xFFFFFC40];
	[tilespmem:v0+s23+$0x0 ss:$0x1] =	vst.idx.msk $0xffff, v2;
	s23 =	sshra.s32 s25, $0x2;
	s25 =	smov.u32 s26  }
0x53: {  	v2 =	vld [tilespmem:s24+$0xFFFFFC50];
	[tilespmem:v0+s23+$0xC70 ss:$0x1] =	vst.idx.msk $0xffff, v3  }
0x54: {  	[tilespmem:v0+s23+$0x10 ss:$0x1] =	vst.idx.msk $0xffff, v7;
	v3 =	vld [tilespmem:s24+$0xFFFFFC60]  }
0x55: {  	[tilespmem:v0+s23+$0x20 ss:$0x1] =	vst.idx.msk $0xffff, v4;
	v4 =	vld [tilespmem:s24+$0xFFFFFC70]  }
0x56: {  	[tilespmem:v0+s23+$0x30 ss:$0x1] =	vst.idx.msk $0xffff, v5;
	v5 =	vld [tilespmem:s24+$0xFFFFFE00]  }
0x57: {  	[tilespmem:v0+s23+$0x40 ss:$0x1] =	vst.idx.msk $0xffff, v6;
	v6 =	vld [tilespmem:s24+$0xFFFFFE10]  }
0x58: {  	[tilespmem:v0+s23+$0x50 ss:$0x1] =	vst.idx.msk $0xffff, v2;
	v2 =	vld [tilespmem:s24+$0xFFFFFE20]  }
0x59: {  	[tilespmem:v0+s23+$0x60 ss:$0x1] =	vst.idx.msk $0xffff, v3;
	v3 =	vld [tilespmem:s24+$0xFFFFFE30]  }
0x5a: {  	[tilespmem:v0+s23+$0x70 ss:$0x1] =	vst.idx.msk $0xffff, v4;
	v4 =	vld [tilespmem:s24+$0xFFFFFE40]  }
0x5b: {  	[tilespmem:v1+s23+$0xFFFFF800 ss:$0x1] =	vst.idx.msk $0xffff, v5;
	v5 =	vld [tilespmem:s24+$0xFFFFFE50]  }
0x5c: {  	[tilespmem:v0+s23+$0x410 ss:$0x1] =	vst.idx.msk $0xffff, v6;
	v6 =	vld [tilespmem:s24+$0xFFFFFE60]  }
0x5d: {  	[tilespmem:v0+s23+$0x420 ss:$0x1] =	vst.idx.msk $0xffff, v2;
	v2 =	vld [tilespmem:s24+$0xFFFFFE70]  }
0x5e: {  	[tilespmem:v0+s23+$0x430 ss:$0x1] =	vst.idx.msk $0xffff, v3;
	v3 =	vld [tilespmem:s24+$0x0]  }
0x5f: {  	[tilespmem:v0+s23+$0x440 ss:$0x1] =	vst.idx.msk $0xffff, v4;
	v4 =	vld [tilespmem:s24+$0x10]  }
0x60: {  	[tilespmem:v0+s23+$0x450 ss:$0x1] =	vst.idx.msk $0xffff, v5;
	v5 =	vld [tilespmem:s24+$0x20]  }
0x61: {  	[tilespmem:v0+s23+$0x460 ss:$0x1] =	vst.idx.msk $0xffff, v6;
	v6 =	vld [tilespmem:s24+$0x30]  }
0x62: {  	[tilespmem:v0+s23+$0x470 ss:$0x1] =	vst.idx.msk $0xffff, v2;
	v2 =	vld [tilespmem:s24+$0x40]  }
0x63: {  	[tilespmem:v1+s23+$0xFFFFFC00 ss:$0x1] =	vst.idx.msk $0xffff, v3;
	v3 =	vld [tilespmem:s24+$0x50]  }
0x64: {  	[tilespmem:v0+s23+$0x810 ss:$0x1] =	vst.idx.msk $0xffff, v4;
	v4 =	vld [tilespmem:s24+$0x60]  }
0x65: {  	[tilespmem:v0+s23+$0x820 ss:$0x1] =	vst.idx.msk $0xffff, v5;
	v5 =	vld [tilespmem:s24+$0x70]  }
0x66: {  	[tilespmem:v0+s23+$0x830 ss:$0x1] =	vst.idx.msk $0xffff, v6;
	v6 =	vld [tilespmem:s24+$0x200]  }
0x67: {  	[tilespmem:v0+s23+$0x840 ss:$0x1] =	vst.idx.msk $0xffff, v2;
	v2 =	vld [tilespmem:s24+$0x210]  }
0x68: {  	[tilespmem:v0+s23+$0x850 ss:$0x1] =	vst.idx.msk $0xffff, v3;
	v3 =	vld [tilespmem:s24+$0x220]  }
0x69: {  	[tilespmem:v0+s23+$0x860 ss:$0x1] =	vst.idx.msk $0xffff, v4;
	v7 =	vld [tilespmem:s24+$0x230]  }
.Ltmp3:
0x6a: {  	[tilespmem:v0+s23+$0x870 ss:$0x1] =	vst.idx.msk $0xffff, v5;
	v4 =	vld [tilespmem:s24+$0x240];
	(pc) =	sbr.rel @p1 .LBB1_4-.Ltmp3, $4  }
0x6b: {  	[tilespmem:v1+s23+$0x0 ss:$0x1] =	vst.idx.msk $0xffff, v6;
	v5 =	vld [tilespmem:s24+$0x250]  }
0x6c: {  	[tilespmem:v0+s23+$0xC10 ss:$0x1] =	vst.idx.msk $0xffff, v2;
	v6 =	vld [tilespmem:s24+$0x260]  }
0x6d: {  	v2 =	vld [tilespmem:s24+$0xFFFFFC00];
	[tilespmem:v0+s23+$0xC20 ss:$0x1] =	vst.idx.msk $0xffff, v3;
	s24 =	sadd.s32 $0x80, s24  }
0x6e: {  	s26 =	sadd.s32 $0x4000, s26;
	v3 =	vld [tilespmem:s24+$0x270];
	[tilespmem:v0+s23+$0xC30 ss:$0x1] =	vst.idx.msk $0xffff, v7  }
0x6f: {  	_ =	sdelay $0x3  }
0x70: {  	v7 =	vld [tilespmem:s24+$0xFFFFFC10];
	[tilespmem:v0+s23+$0xC40 ss:$0x1] =	vst.idx.msk $0xffff, v4  }
0x71: {  	v34 =	vld [tilespmem:s24+$0xFFFFFC20];
	[tilespmem:v0+s23+$0xC50 ss:$0x1] =	vst.idx.msk $0xffff, v5  }
0x72: {  	v35 =	vld [tilespmem:s24+$0xFFFFFC30];
	[tilespmem:v0+s23+$0xC60 ss:$0x1] =	vst.idx.msk $0xffff, v6  }
0x73: {  	s25 =	sshra.s32 s25, $0x2;
	v36 =	vld [tilespmem:s24+$0xFFFFFC40];
	[tilespmem:v0+s23+$0x0 ss:$0x1] =	vst.idx.msk $0xffff, v2  }
0x74: {  	v37 =	vld [tilespmem:s24+$0xFFFFFC50];
	[tilespmem:v0+s25+$0xC70 ss:$0x1] =	vst.idx.msk $0xffff, v3  }
0x75: {  	v38 =	vld [tilespmem:s24+$0xFFFFFC60];
	[tilespmem:v0+s25+$0x10 ss:$0x1] =	vst.idx.msk $0xffff, v7  }
0x76: {  	v39 =	vld [tilespmem:s24+$0xFFFFFC70];
	[tilespmem:v0+s25+$0x20 ss:$0x1] =	vst.idx.msk $0xffff, v34  }
0x77: {  	v40 =	vld [tilespmem:s24+$0xFFFFFE00];
	[tilespmem:v0+s25+$0x30 ss:$0x1] =	vst.idx.msk $0xffff, v35  }
0x78: {  	v41 =	vld [tilespmem:s24+$0xFFFFFE10];
	[tilespmem:v0+s25+$0x40 ss:$0x1] =	vst.idx.msk $0xffff, v36  }
0x79: {  	v42 =	vld [tilespmem:s24+$0xFFFFFE20];
	[tilespmem:v0+s25+$0x50 ss:$0x1] =	vst.idx.msk $0xffff, v37  }
0x7a: {  	v43 =	vld [tilespmem:s24+$0xFFFFFE30];
	[tilespmem:v0+s25+$0x60 ss:$0x1] =	vst.idx.msk $0xffff, v38  }
0x7b: {  	v44 =	vld [tilespmem:s24+$0xFFFFFE40];
	[tilespmem:v0+s25+$0x70 ss:$0x1] =	vst.idx.msk $0xffff, v39  }
0x7c: {  	v45 =	vld [tilespmem:s24+$0xFFFFFE50];
	[tilespmem:v1+s25+$0xFFFFF800 ss:$0x1] =	vst.idx.msk $0xffff, v40  }
0x7d: {  	v46 =	vld [tilespmem:s24+$0xFFFFFE60];
	[tilespmem:v0+s25+$0x410 ss:$0x1] =	vst.idx.msk $0xffff, v41  }
0x7e: {  	v47 =	vld [tilespmem:s24+$0xFFFFFE70];
	[tilespmem:v0+s25+$0x420 ss:$0x1] =	vst.idx.msk $0xffff, v42  }
0x7f: {  	v48 =	vld [tilespmem:s24+$0x0];
	[tilespmem:v0+s25+$0x430 ss:$0x1] =	vst.idx.msk $0xffff, v43  }
0x80: {  	v49 =	vld [tilespmem:s24+$0x10];
	[tilespmem:v0+s25+$0x440 ss:$0x1] =	vst.idx.msk $0xffff, v44  }
0x81: {  	v50 =	vld [tilespmem:s24+$0x20];
	[tilespmem:v0+s25+$0x450 ss:$0x1] =	vst.idx.msk $0xffff, v45  }
0x82: {  	v51 =	vld [tilespmem:s24+$0x30];
	[tilespmem:v0+s25+$0x460 ss:$0x1] =	vst.idx.msk $0xffff, v46  }
0x83: {  	v52 =	vld [tilespmem:s24+$0x40];
	[tilespmem:v0+s25+$0x470 ss:$0x1] =	vst.idx.msk $0xffff, v47  }
0x84: {  	v53 =	vld [tilespmem:s24+$0x50];
	[tilespmem:v1+s25+$0xFFFFFC00 ss:$0x1] =	vst.idx.msk $0xffff, v48  }
0x85: {  	v54 =	vld [tilespmem:s24+$0x60];
	[tilespmem:v0+s25+$0x810 ss:$0x1] =	vst.idx.msk $0xffff, v49  }
0x86: {  	v55 =	vld [tilespmem:s24+$0x70];
	[tilespmem:v0+s25+$0x820 ss:$0x1] =	vst.idx.msk $0xffff, v50  }
0x87: {  	v56 =	vld [tilespmem:s24+$0x200];
	[tilespmem:v0+s25+$0x830 ss:$0x1] =	vst.idx.msk $0xffff, v51  }
0x88: {  	v57 =	vld [tilespmem:s24+$0x210];
	[tilespmem:v0+s25+$0x840 ss:$0x1] =	vst.idx.msk $0xffff, v52  }
0x89: {  	v58 =	vld [tilespmem:s24+$0x220];
	[tilespmem:v0+s25+$0x850 ss:$0x1] =	vst.idx.msk $0xffff, v53  }
0x8a: {  	v59 =	vld [tilespmem:s24+$0x230];
	[tilespmem:v0+s25+$0x860 ss:$0x1] =	vst.idx.msk $0xffff, v54  }
0x8b: {  	v60 =	vld [tilespmem:s24+$0x240];
	[tilespmem:v0+s25+$0x870 ss:$0x1] =	vst.idx.msk $0xffff, v55  }
0x8c: {  	v61 =	vld [tilespmem:s24+$0x250];
	[tilespmem:v1+s25+$0x0 ss:$0x1] =	vst.idx.msk $0xffff, v56  }
0x8d: {  	v62 =	vld [tilespmem:s24+$0x260];
	s22 =	sadd.s32 $0x1, s22;
	[tilespmem:v0+s25+$0xC10 ss:$0x1] =	vst.idx.msk $0xffff, v57  }
0x8e: {  	v63 =	vld [tilespmem:s24+$0xFFFFFC00];
	p1 =	sne.s32 s22, $0x8;
	[tilespmem:v0+s25+$0xC20 ss:$0x1] =	vst.idx.msk $0xffff, v58  }
.Ltmp4:
0x8f: {  	[tilespmem:v0+s25+$0xC30 ss:$0x1] =	vst.idx.msk $0xffff, v59;
	(pc) =	sbr.rel @p1 .LBB1_3-.Ltmp4, $4  }
0x90: {  	[tilespmem:v0+s25+$0xC40 ss:$0x1] =	vst.idx.msk $0xffff, v60  }
0x91: {  	[tilespmem:v0+s25+$0xC50 ss:$0x1] =	vst.idx.msk $0xffff, v61  }
0x92: {  	s17 =	sadd.s32 $0x800, s17;
	[tilespmem:v0+s25+$0xC60 ss:$0x1] =	vst.idx.msk $0xffff, v62  }
0x93: {  	s21 =	sadd.s32 $0x80, s21;
	s20 =	sadd.s32 $0x1, s20;
	s18 =	sadd.s32 $0x80, s18;
	[tilespmem:v0+s25+$0x0 ss:$0x1] =	vst.idx.msk $0xffff, v63  }
0x94: {  	s15 =	sshll.u32 s15, $0x7;
	s17 =	sand.u32 $0x78, s12  }
0x95: {  	s18 =	sshll.u32 s12, $0x3;
	s14 =	sshll.u32 s14, $0xD;
	s13 =	sshll.u32 s13, $0xB  }
0x96: {  	s29 =	sand.u32 $0x700, s12;
	s15 =	sand.u32 $0x380, s15;
	s18 =	sand.u32 $0x400, s18  }
.Ltmp5:
0x97: {  	s14 =	sadd.s32 s2, s14;
	s15 =	sor.u32 s15, s17;
	(pc) =	sbr.rel .LBB1_7-.Ltmp5, $4  }
0x98: {  	s30 =	sand.u32 $0x7, s12;
	s13 =	sadd.s32 s13, s14;
	s15 =	sor.u32 s18, s15  }
0x99: {  	s12 =	sshll.u32 s30, $0x12;
	s13 =	sadd.s32 s29, s13;
	s31 =	sshrl.u32 s15, $0x3  }
0x9a: {  	s12 =	sor.u32 $0x1000, s12;
	s13 =	sadd.s32 s31, s13  }
0x9b: {  	[hbm4b:s13+s12] =	stream.strided.scatter [tilespmem:s16], [sflag:$0x2], $0x4000, s6, s12, $0x38;
	[tilespmem:$0x10000] =	vst v63  }
.LBB1_8:
0x9c: {  	_ =	sfence.sel $0x180000  }
0x9d: {  	s2 =	simm.s32 $0x1;
	[bflag:$0x0] =	sbarrier.arrive $0xFFFF  }
0x9e: {  	s31 =	simm.s32 $0x2;
	[sflag:s2] =	ssyncpa.u1 $0x1  }
0x9f: {  	[sflag:s31] =	ssyncpa.u1 $0x1  }
0xa0: {  	p0 =	sne.s32 s1, $0x0;
	_ =	strace $0x90000053  }
0xa1: {  	s0 =	sadd.s32 @!p0 $0x100000, s0;
	[bflag:$0x2] =	sbarrier.arrive $0xFFFF  }
0xa2: {  	[sflag:s0] =	ssyncadd.tile.s32 @!p0 $0x1;
	_ =	shalt  }
.Lfunc_end1:
_tile_overlayer_lowered:
.L_overlay_start_2:
0xa3: {  	(tag) =	ssettag $0x2  }
0xa4: {  	s0 =	rddreg [dreg:$0x0];
	s2 =	stileid.u32  }
0xa5: {  	s1 =	rddreg [dreg:$0x1];
	p0 =	sne.s32 s2, $0x0  }
0xa6: {  	s3 =	rddreg [dreg:$0x2];
	[bflag:$0x3] =	sbarrier.arrive $0xFFFF;
	s2 =	simm.s32 @!p0 $0x1C01  }
0xa7: {  	[timem:s3], [sflag:s2] =	dma.local @!p0 [hbm:s0], s1  }
0xa8: {  	s0 =	simm.s32 @!p0 $0x1  }
0xa9: {  	_ =	swait.ge @!p0 [sflag:s0], s1  }
0xaa: {  	s1 =	ssub.s32 @!p0 $0x0, s1;
	[sflag:s0] =	ssyncset.done @!p0 $0x0  }
0xab: {  	[sflag:s0] =	ssyncadd.s32 @!p0 s1  }
0xac: {  	[bflag:$0x3] =	sbarrier.arrive $0xFFFF  }
0xad: {  	_ =	shalt  }

</sc_bundles>
